<compile_context>
chip_gen: v7x
topology: tpu7x:2x2x1
jax: 0.10.2.dev20260603
libtpu: 0.0.44.dev20260713+nightly
codegen_flags: <defaults>
</compile_context>

<pallas_src>
import functools

import jax
import jax.numpy as jnp
from jax import lax
from jax.experimental import pallas as pl
from jax.experimental.pallas import tpu as pltpu
from jax.experimental.pallas import tpu_sc as plsc

V = 1000
N = 64 * 256
NC, NS = 2, 16
NW = NC * NS
ROWS_PER_W = N // NW
CH = 16
NCH = ROWS_PER_W // CH
TV = V // 8


def _logz_body(e_ref, o_ref):
    x = e_ref[...]
    m = jnp.max(x, axis=1)
    s = jnp.sum(jnp.exp(x - m[:, None]), axis=1)
    o_ref[...] = m + jnp.log(s)


def _loss_body(p_ref, o_ref):
    o_ref[0, 0] = jnp.sum(p_ref[...]) * (1.0 / N)


def _sc_body(embed, idx, tgt, logz, out, partials,
             idx_v, tgt_v, logz_v, rows0, rows1, stg0, stg1, acc_v,
             sem_g0, sem_g1, sem_o0, sem_o1):
    wid = lax.axis_index("s") * NC + lax.axis_index("c")
    base = wid * ROWS_PER_W
    pltpu.sync_copy(idx.at[pl.ds(base, ROWS_PER_W)], idx_v)
    pltpu.sync_copy(tgt.at[pl.ds(base, ROWS_PER_W)], tgt_v)
    pltpu.sync_copy(logz, logz_v)

    iota = jnp.arange(16, dtype=jnp.int32)
    rows = [rows0, rows1]
    sems = [sem_g0, sem_g1]
    stgs = [stg0, stg1]
    sems_o = [sem_o0, sem_o1]

    acc = jnp.zeros((16,), jnp.float32)
    for g in range(ROWS_PER_W // 16):
        acc = acc + plsc.load_gather(logz_v, [idx_v[pl.ds(g * 16, 16)]])

    def issue_gather(u, p):
        return pltpu.async_copy(
            embed.at[idx_v.at[pl.ds(u * CH, CH)]], rows[p], sems[p])

    def chunk_body(u, p, acc):
        pltpu.make_async_copy(
            embed.at[idx_v.at[pl.ds(u * CH, CH)]], rows[p], sems[p]).wait()

        stg = stgs[p]
        tc = wid * (ROWS_PER_W // 128) + u // 8
        l0 = (u - (u // 8) * 8) * CH

        @pl.when(u >= 2)
        def _():
            pltpu.make_async_copy(
                stg, out.at[:, tc, :, pl.ds(l0, CH)], sems_o[p]).wait()

        @plsc.parallel_loop(0, TV, step=1, unroll=2)
        def tile_body(t):
            for r in range(8):
                v = plsc.load_gather(
                    rows[p], [iota, jnp.full((16,), t * 8 + r, jnp.int32)])
                stg[t, r, :] = v

        tgt16 = tgt_v[pl.ds(u * CH, CH)]
        acc = acc - plsc.load_gather(rows[p], [iota, tgt16])

        pltpu.async_copy(stg, out.at[:, tc, :, pl.ds(l0, CH)], sems_o[p])
        return acc

    issue_gather(jnp.int32(0), 0)

    def pair_body(k, acc):
        u0 = 2 * k
        issue_gather(u0 + 1, 1)
        acc = chunk_body(u0, 0, acc)

        @pl.when(u0 + 2 < NCH)
        def _():
            issue_gather(u0 + 2, 0)

        acc = chunk_body(u0 + 1, 1, acc)
        return acc

    acc = lax.fori_loop(0, NCH // 2, pair_body, acc, unroll=False)

    pltpu.make_async_copy(stg0, out.at[:, 0, :, pl.ds(0, CH)], sem_o0).wait()
    pltpu.make_async_copy(stg1, out.at[:, 0, :, pl.ds(0, CH)], sem_o1).wait()

    acc_v[...] = acc
    pltpu.sync_copy(acc_v, partials.at[wid])


_sc_gather = functools.partial(
    pl.kernel,
    mesh=plsc.VectorSubcoreMesh(core_axis_name="c", subcore_axis_name="s"),
    compiler_params=pltpu.CompilerParams(
        use_tc_tiling_on_sc=False, needs_layout_passes=False),
    out_type=[
        jax.ShapeDtypeStruct((TV, N // 128, 8, 128), jnp.float32),
        jax.ShapeDtypeStruct((NW, 16), jnp.float32),
    ],
    scratch_types=[
        pltpu.VMEM((ROWS_PER_W,), jnp.int32),
        pltpu.VMEM((ROWS_PER_W,), jnp.int32),
        pltpu.VMEM((V,), jnp.float32),
        pltpu.VMEM((CH, V), jnp.float32),
        pltpu.VMEM((CH, V), jnp.float32),
        pltpu.VMEM((TV, 8, CH), jnp.float32),
        pltpu.VMEM((TV, 8, CH), jnp.float32),
        pltpu.VMEM((16,), jnp.float32),
        pltpu.SemaphoreType.DMA,
        pltpu.SemaphoreType.DMA,
        pltpu.SemaphoreType.DMA,
        pltpu.SemaphoreType.DMA,
    ],
)(_sc_body)


def kernel(input, target, embed):
    idx = input.reshape(-1).astype(jnp.int32)
    tgt = target.reshape(-1).astype(jnp.int32)
    logz = pl.pallas_call(
        _logz_body,
        out_shape=jax.ShapeDtypeStruct((V,), jnp.float32),
    )(embed)
    tiles, partials = _sc_gather(embed, idx, tgt, logz)
    logit2 = tiles.transpose(1, 3, 0, 2).reshape(N, V)
    loss2d = pl.pallas_call(
        _loss_body,
        out_shape=jax.ShapeDtypeStruct((1, 1), jnp.float32),
        out_specs=pl.BlockSpec(memory_space=pltpu.SMEM),
    )(partials)
    return (logit2, loss2d[0, 0])

# --- scband reference (transcript-rebuilt; emitter-appended) ---
"""Pipeline reference for scband-bigram-lm-16149077033620 (READ-ONLY COPY).

The authoritative reference and input builder live on the scoring server;
editing this copy changes nothing except your own understanding.
"""

import jax, jax.numpy as jnp
import numpy as np

VOCAB_SIZE = 1000
B, T = 64, 256


def setup_inputs(seed: int = 0) -> dict:
    key = jax.random.key(seed)
    k1, k2, k3 = jax.random.split(key, 3)
    inp = jax.random.randint(k1, (B, T), 0, VOCAB_SIZE, dtype=jnp.int64 if jax.config.jax_enable_x64 else jnp.int32)
    target = jax.random.randint(k2, (B, T), 0, VOCAB_SIZE, dtype=jnp.int64 if jax.config.jax_enable_x64 else jnp.int32)
    embed = jax.random.normal(k3, (VOCAB_SIZE, VOCAB_SIZE), dtype=jnp.float32)
    return {"input": inp, "target": target, "embed": embed}


def reference(input, target, embed):
    # logit = self.embed(input)  -> embedding gather
    logit = jnp.take(embed, input, axis=0)  # [B, T, V]
    b, t, c = logit.shape
    logit2 = logit.reshape(b * t, c)
    tgt = target.reshape(b * t)
    # F.cross_entropy(logit, target): mean NLL with logsumexp normalization
    logz = jax.nn.logsumexp(logit2, axis=1)
    picked = jnp.take_along_axis(logit2, tgt[:, None], axis=1)[:, 0]
    loss = jnp.mean(logz - picked)
    return (logit2, loss)

if __name__ == "__main__":
    import jax
    _d = setup_inputs()
    print(jax.jit(kernel)(*tuple(_d.values())))

</pallas_src>

<mosaic_0001>
#map = affine_map<(d0, d1) -> (0, 0)>
#map1 = affine_map<(d0, d1) -> (0)>
#map2 = affine_map<(d0, d1) -> (0, 0, 0, 0)>
module attributes {stable_mosaic.version = 14 : i64} {
  func.func @_sc_body(%arg0: i32, %arg1: i32, %arg2: memref<1000x1000xf32, #tpu.memory_space<hbm>>, %arg3: memref<16384xi32, #tpu.memory_space<hbm>>, %arg4: memref<16384xi32, #tpu.memory_space<hbm>>, %arg5: memref<1000xf32, #tpu.memory_space<hbm>>, %arg6: memref<125x128x8x128xf32, #tpu.memory_space<hbm>>, %arg7: memref<32x16xf32, #tpu.memory_space<hbm>>, %arg8: memref<512xi32, #tpu.memory_space<vmem>>, %arg9: memref<512xi32, #tpu.memory_space<vmem>>, %arg10: memref<1000xf32, #tpu.memory_space<vmem>>, %arg11: memref<16x1000xf32, #tpu.memory_space<vmem>>, %arg12: memref<16x1000xf32, #tpu.memory_space<vmem>>, %arg13: memref<125x8x16xf32, #tpu.memory_space<vmem>>, %arg14: memref<125x8x16xf32, #tpu.memory_space<vmem>>, %arg15: memref<16xf32, #tpu.memory_space<vmem>>, %arg16: memref<!tpu.dma_semaphore, #tpu.memory_space<semaphore_mem>>, %arg17: memref<!tpu.dma_semaphore, #tpu.memory_space<semaphore_mem>>, %arg18: memref<!tpu.dma_semaphore, #tpu.memory_space<semaphore_mem>>, %arg19: memref<!tpu.dma_semaphore, #tpu.memory_space<semaphore_mem>>) attributes {dimension_semantics = [#tpu.dimension_semantics<core_parallel>, #tpu.dimension_semantics<subcore_parallel>], iteration_bounds = array<i64: 2, 16>, scalar_prefetch = 0 : i64, scratch_operands = 12 : i64, tpu.core_type = #tpu.core_type<sc_vector_subcore>, window_params = [{transform_indices = #map}, {transform_indices = #map1}, {transform_indices = #map1}, {transform_indices = #map1}, {transform_indices = #map2}, {transform_indices = #map}]} {
    %mul3A = arith.constant 2 : i32
    %mul3A_0 = arith.muli %arg1, %mul3A : i32
    %add3A = arith.addi %mul3A_0, %arg0 : i32
    %mul3A_1 = arith.constant 512 : i32
    %mul3A_2 = arith.muli %add3A, %mul3A_1 : i32
    "tpu.region"() ({
      %run_scoped3A = tpu.sem_alloc : memref<!tpu.dma_semaphore, #tpu.memory_space<semaphore_mem>>
      %dma_start3A_163 = tpu.memref_slice %arg3[%mul3A_2] : memref<16384xi32, #tpu.memory_space<hbm>> -> memref<512xi32, #tpu.memory_space<hbm>>
      %dma_start3A_164 = tpu.memref_slice %arg3[%mul3A_2] : memref<16384xi32, #tpu.memory_space<hbm>> -> memref<512xi32, #tpu.memory_space<hbm>>
      tpu.enqueue_dma source(%dma_start3A_164 : memref<512xi32, #tpu.memory_space<hbm>>) target(%arg8 : memref<512xi32, #tpu.memory_space<vmem>>) target_semaphore(%run_scoped3A : memref<!tpu.dma_semaphore, #tpu.memory_space<semaphore_mem>>)
      %dma_wait3A_165 = tpu.memref_slice %arg3[%mul3A_2] : memref<16384xi32, #tpu.memory_space<hbm>> -> memref<512xi32, #tpu.memory_space<hbm>>
      %dma_wait3A_166 = tpu.memref_slice %arg3[%mul3A_2] : memref<16384xi32, #tpu.memory_space<hbm>> -> memref<512xi32, #tpu.memory_space<hbm>>
      tpu.wait_dma2 semaphore(%run_scoped3A : memref<!tpu.dma_semaphore, #tpu.memory_space<semaphore_mem>>) src(%dma_wait3A_166 : memref<512xi32, #tpu.memory_space<hbm>>) dst(%arg8 : memref<512xi32, #tpu.memory_space<vmem>>)
      tpu.yield
    }) : () -> ()
    "tpu.region"() ({
      %run_scoped3A = tpu.sem_alloc : memref<!tpu.dma_semaphore, #tpu.memory_space<semaphore_mem>>
      %dma_start3A_163 = tpu.memref_slice %arg4[%mul3A_2] : memref<16384xi32, #tpu.memory_space<hbm>> -> memref<512xi32, #tpu.memory_space<hbm>>
      %dma_start3A_164 = tpu.memref_slice %arg4[%mul3A_2] : memref<16384xi32, #tpu.memory_space<hbm>> -> memref<512xi32, #tpu.memory_space<hbm>>
      tpu.enqueue_dma source(%dma_start3A_164 : memref<512xi32, #tpu.memory_space<hbm>>) target(%arg9 : memref<512xi32, #tpu.memory_space<vmem>>) target_semaphore(%run_scoped3A : memref<!tpu.dma_semaphore, #tpu.memory_space<semaphore_mem>>)
      %dma_wait3A_165 = tpu.memref_slice %arg4[%mul3A_2] : memref<16384xi32, #tpu.memory_space<hbm>> -> memref<512xi32, #tpu.memory_space<hbm>>
      %dma_wait3A_166 = tpu.memref_slice %arg4[%mul3A_2] : memref<16384xi32, #tpu.memory_space<hbm>> -> memref<512xi32, #tpu.memory_space<hbm>>
      tpu.wait_dma2 semaphore(%run_scoped3A : memref<!tpu.dma_semaphore, #tpu.memory_space<semaphore_mem>>) src(%dma_wait3A_166 : memref<512xi32, #tpu.memory_space<hbm>>) dst(%arg9 : memref<512xi32, #tpu.memory_space<vmem>>)
      tpu.yield
    }) : () -> ()
    "tpu.region"() ({
      %run_scoped3A = tpu.sem_alloc : memref<!tpu.dma_semaphore, #tpu.memory_space<semaphore_mem>>
      tpu.enqueue_dma source(%arg5 : memref<1000xf32, #tpu.memory_space<hbm>>) target(%arg10 : memref<1000xf32, #tpu.memory_space<vmem>>) target_semaphore(%run_scoped3A : memref<!tpu.dma_semaphore, #tpu.memory_space<semaphore_mem>>)
      tpu.wait_dma2 semaphore(%run_scoped3A : memref<!tpu.dma_semaphore, #tpu.memory_space<semaphore_mem>>) src(%arg5 : memref<1000xf32, #tpu.memory_space<hbm>>) dst(%arg10 : memref<1000xf32, #tpu.memory_space<vmem>>)
      tpu.yield
    }) : () -> ()
    %iota3A = tpu.iota {dimensions = array<i32: 0>} : vector<16xi32>
    %broadcast_in_dim3A = arith.constant 0.000000e+00 : f32
    %broadcast_in_dim3A_3 = vector.broadcast %broadcast_in_dim3A : f32 to vector<16xf32>
    %get3A = arith.constant 0 : index
    %get3A_4 = tpu.vector_load %arg8[%get3A] {strides = array<i32>} : memref<512xi32, #tpu.memory_space<vmem>>, vector<16xi32>,
    %gather3A = tpu.vector_load_idx %arg10[%get3A_4] : memref<1000xf32, #tpu.memory_space<vmem>>[vector<16xi32>], vector<16xf32>,
    %add3A_5 = arith.addf %broadcast_in_dim3A_3, %gather3A : vector<16xf32>
    %get3A_6 = arith.constant 16 : index
    %get3A_7 = tpu.vector_load %arg8[%get3A_6] {strides = array<i32>} : memref<512xi32, #tpu.memory_space<vmem>>, vector<16xi32>,
    %gather3A_8 = tpu.vector_load_idx %arg10[%get3A_7] : memref<1000xf32, #tpu.memory_space<vmem>>[vector<16xi32>], vector<16xf32>,
    %add3A_9 = arith.addf %add3A_5, %gather3A_8 : vector<16xf32>
    %get3A_10 = arith.constant 32 : index
    %get3A_11 = tpu.vector_load %arg8[%get3A_10] {strides = array<i32>} : memref<512xi32, #tpu.memory_space<vmem>>, vector<16xi32>,
    %gather3A_12 = tpu.vector_load_idx %arg10[%get3A_11] : memref<1000xf32, #tpu.memory_space<vmem>>[vector<16xi32>], vector<16xf32>,
    %add3A_13 = arith.addf %add3A_9, %gather3A_12 : vector<16xf32>
    %get3A_14 = arith.constant 48 : index
    %get3A_15 = tpu.vector_load %arg8[%get3A_14] {strides = array<i32>} : memref<512xi32, #tpu.memory_space<vmem>>, vector<16xi32>,
    %gather3A_16 = tpu.vector_load_idx %arg10[%get3A_15] : memref<1000xf32, #tpu.memory_space<vmem>>[vector<16xi32>], vector<16xf32>,
    %add3A_17 = arith.addf %add3A_13, %gather3A_16 : vector<16xf32>
    %get3A_18 = arith.constant 64 : index
    %get3A_19 = tpu.vector_load %arg8[%get3A_18] {strides = array<i32>} : memref<512xi32, #tpu.memory_space<vmem>>, vector<16xi32>,
    %gather3A_20 = tpu.vector_load_idx %arg10[%get3A_19] : memref<1000xf32, #tpu.memory_space<vmem>>[vector<16xi32>], vector<16xf32>,
    %add3A_21 = arith.addf %add3A_17, %gather3A_20 : vector<16xf32>
    %get3A_22 = arith.constant 80 : index
    %get3A_23 = tpu.vector_load %arg8[%get3A_22] {strides = array<i32>} : memref<512xi32, #tpu.memory_space<vmem>>, vector<16xi32>,
    %gather3A_24 = tpu.vector_load_idx %arg10[%get3A_23] : memref<1000xf32, #tpu.memory_space<vmem>>[vector<16xi32>], vector<16xf32>,
    %add3A_25 = arith.addf %add3A_21, %gather3A_24 : vector<16xf32>
    %get3A_26 = arith.constant 96 : index
    %get3A_27 = tpu.vector_load %arg8[%get3A_26] {strides = array<i32>} : memref<512xi32, #tpu.memory_space<vmem>>, vector<16xi32>,
    %gather3A_28 = tpu.vector_load_idx %arg10[%get3A_27] : memref<1000xf32, #tpu.memory_space<vmem>>[vector<16xi32>], vector<16xf32>,
    %add3A_29 = arith.addf %add3A_25, %gather3A_28 : vector<16xf32>
    %get3A_30 = arith.constant 112 : index
    %get3A_31 = tpu.vector_load %arg8[%get3A_30] {strides = array<i32>} : memref<512xi32, #tpu.memory_space<vmem>>, vector<16xi32>,
    %gather3A_32 = tpu.vector_load_idx %arg10[%get3A_31] : memref<1000xf32, #tpu.memory_space<vmem>>[vector<16xi32>], vector<16xf32>,
    %add3A_33 = arith.addf %add3A_29, %gather3A_32 : vector<16xf32>
    %get3A_34 = arith.constant 128 : index
    %get3A_35 = tpu.vector_load %arg8[%get3A_34] {strides = array<i32>} : memref<512xi32, #tpu.memory_space<vmem>>, vector<16xi32>,
    %gather3A_36 = tpu.vector_load_idx %arg10[%get3A_35] : memref<1000xf32, #tpu.memory_space<vmem>>[vector<16xi32>], vector<16xf32>,
    %add3A_37 = arith.addf %add3A_33, %gather3A_36 : vector<16xf32>
    %get3A_38 = arith.constant 144 : index
    %get3A_39 = tpu.vector_load %arg8[%get3A_38] {strides = array<i32>} : memref<512xi32, #tpu.memory_space<vmem>>, vector<16xi32>,
    %gather3A_40 = tpu.vector_load_idx %arg10[%get3A_39] : memref<1000xf32, #tpu.memory_space<vmem>>[vector<16xi32>], vector<16xf32>,
    %add3A_41 = arith.addf %add3A_37, %gather3A_40 : vector<16xf32>
    %get3A_42 = arith.constant 160 : index
    %get3A_43 = tpu.vector_load %arg8[%get3A_42] {strides = array<i32>} : memref<512xi32, #tpu.memory_space<vmem>>, vector<16xi32>,
    %gather3A_44 = tpu.vector_load_idx %arg10[%get3A_43] : memref<1000xf32, #tpu.memory_space<vmem>>[vector<16xi32>], vector<16xf32>,
    %add3A_45 = arith.addf %add3A_41, %gather3A_44 : vector<16xf32>
    %get3A_46 = arith.constant 176 : index
    %get3A_47 = tpu.vector_load %arg8[%get3A_46] {strides = array<i32>} : memref<512xi32, #tpu.memory_space<vmem>>, vector<16xi32>,
    %gather3A_48 = tpu.vector_load_idx %arg10[%get3A_47] : memref<1000xf32, #tpu.memory_space<vmem>>[vector<16xi32>], vector<16xf32>,
    %add3A_49 = arith.addf %add3A_45, %gather3A_48 : vector<16xf32>
    %get3A_50 = arith.constant 192 : index
    %get3A_51 = tpu.vector_load %arg8[%get3A_50] {strides = array<i32>} : memref<512xi32, #tpu.memory_space<vmem>>, vector<16xi32>,
    %gather3A_52 = tpu.vector_load_idx %arg10[%get3A_51] : memref<1000xf32, #tpu.memory_space<vmem>>[vector<16xi32>], vector<16xf32>,
    %add3A_53 = arith.addf %add3A_49, %gather3A_52 : vector<16xf32>
    %get3A_54 = arith.constant 208 : index
    %get3A_55 = tpu.vector_load %arg8[%get3A_54] {strides = array<i32>} : memref<512xi32, #tpu.memory_space<vmem>>, vector<16xi32>,
    %gather3A_56 = tpu.vector_load_idx %arg10[%get3A_55] : memref<1000xf32, #tpu.memory_space<vmem>>[vector<16xi32>], vector<16xf32>,
    %add3A_57 = arith.addf %add3A_53, %gather3A_56 : vector<16xf32>
    %get3A_58 = arith.constant 224 : index
    %get3A_59 = tpu.vector_load %arg8[%get3A_58] {strides = array<i32>} : memref<512xi32, #tpu.memory_space<vmem>>, vector<16xi32>,
    %gather3A_60 = tpu.vector_load_idx %arg10[%get3A_59] : memref<1000xf32, #tpu.memory_space<vmem>>[vector<16xi32>], vector<16xf32>,
    %add3A_61 = arith.addf %add3A_57, %gather3A_60 : vector<16xf32>
    %get3A_62 = arith.constant 240 : index
    %get3A_63 = tpu.vector_load %arg8[%get3A_62] {strides = array<i32>} : memref<512xi32, #tpu.memory_space<vmem>>, vector<16xi32>,
    %gather3A_64 = tpu.vector_load_idx %arg10[%get3A_63] : memref<1000xf32, #tpu.memory_space<vmem>>[vector<16xi32>], vector<16xf32>,
    %add3A_65 = arith.addf %add3A_61, %gather3A_64 : vector<16xf32>
    %get3A_66 = arith.constant 256 : index
    %get3A_67 = tpu.vector_load %arg8[%get3A_66] {strides = array<i32>} : memref<512xi32, #tpu.memory_space<vmem>>, vector<16xi32>,
    %gather3A_68 = tpu.vector_load_idx %arg10[%get3A_67] : memref<1000xf32, #tpu.memory_space<vmem>>[vector<16xi32>], vector<16xf32>,
    %add3A_69 = arith.addf %add3A_65, %gather3A_68 : vector<16xf32>
    %get3A_70 = arith.constant 272 : index
    %get3A_71 = tpu.vector_load %arg8[%get3A_70] {strides = array<i32>} : memref<512xi32, #tpu.memory_space<vmem>>, vector<16xi32>,
    %gather3A_72 = tpu.vector_load_idx %arg10[%get3A_71] : memref<1000xf32, #tpu.memory_space<vmem>>[vector<16xi32>], vector<16xf32>,
    %add3A_73 = arith.addf %add3A_69, %gather3A_72 : vector<16xf32>
    %get3A_74 = arith.constant 288 : index
    %get3A_75 = tpu.vector_load %arg8[%get3A_74] {strides = array<i32>} : memref<512xi32, #tpu.memory_space<vmem>>, vector<16xi32>,
    %gather3A_76 = tpu.vector_load_idx %arg10[%get3A_75] : memref<1000xf32, #tpu.memory_space<vmem>>[vector<16xi32>], vector<16xf32>,
    %add3A_77 = arith.addf %add3A_73, %gather3A_76 : vector<16xf32>
    %get3A_78 = arith.constant 304 : index
    %get3A_79 = tpu.vector_load %arg8[%get3A_78] {strides = array<i32>} : memref<512xi32, #tpu.memory_space<vmem>>, vector<16xi32>,
    %gather3A_80 = tpu.vector_load_idx %arg10[%get3A_79] : memref<1000xf32, #tpu.memory_space<vmem>>[vector<16xi32>], vector<16xf32>,
    %add3A_81 = arith.addf %add3A_77, %gather3A_80 : vector<16xf32>
    %get3A_82 = arith.constant 320 : index
    %get3A_83 = tpu.vector_load %arg8[%get3A_82] {strides = array<i32>} : memref<512xi32, #tpu.memory_space<vmem>>, vector<16xi32>,
    %gather3A_84 = tpu.vector_load_idx %arg10[%get3A_83] : memref<1000xf32, #tpu.memory_space<vmem>>[vector<16xi32>], vector<16xf32>,
    %add3A_85 = arith.addf %add3A_81, %gather3A_84 : vector<16xf32>
    %get3A_86 = arith.constant 336 : index
    %get3A_87 = tpu.vector_load %arg8[%get3A_86] {strides = array<i32>} : memref<512xi32, #tpu.memory_space<vmem>>, vector<16xi32>,
    %gather3A_88 = tpu.vector_load_idx %arg10[%get3A_87] : memref<1000xf32, #tpu.memory_space<vmem>>[vector<16xi32>], vector<16xf32>,
    %add3A_89 = arith.addf %add3A_85, %gather3A_88 : vector<16xf32>
    %get3A_90 = arith.constant 352 : index
    %get3A_91 = tpu.vector_load %arg8[%get3A_90] {strides = array<i32>} : memref<512xi32, #tpu.memory_space<vmem>>, vector<16xi32>,
    %gather3A_92 = tpu.vector_load_idx %arg10[%get3A_91] : memref<1000xf32, #tpu.memory_space<vmem>>[vector<16xi32>], vector<16xf32>,
    %add3A_93 = arith.addf %add3A_89, %gather3A_92 : vector<16xf32>
    %get3A_94 = arith.constant 368 : index
    %get3A_95 = tpu.vector_load %arg8[%get3A_94] {strides = array<i32>} : memref<512xi32, #tpu.memory_space<vmem>>, vector<16xi32>,
    %gather3A_96 = tpu.vector_load_idx %arg10[%get3A_95] : memref<1000xf32, #tpu.memory_space<vmem>>[vector<16xi32>], vector<16xf32>,
    %add3A_97 = arith.addf %add3A_93, %gather3A_96 : vector<16xf32>
    %get3A_98 = arith.constant 384 : index
    %get3A_99 = tpu.vector_load %arg8[%get3A_98] {strides = array<i32>} : memref<512xi32, #tpu.memory_space<vmem>>, vector<16xi32>,
    %gather3A_100 = tpu.vector_load_idx %arg10[%get3A_99] : memref<1000xf32, #tpu.memory_space<vmem>>[vector<16xi32>], vector<16xf32>,
    %add3A_101 = arith.addf %add3A_97, %gather3A_100 : vector<16xf32>
    %get3A_102 = arith.constant 400 : index
    %get3A_103 = tpu.vector_load %arg8[%get3A_102] {strides = array<i32>} : memref<512xi32, #tpu.memory_space<vmem>>, vector<16xi32>,
    %gather3A_104 = tpu.vector_load_idx %arg10[%get3A_103] : memref<1000xf32, #tpu.memory_space<vmem>>[vector<16xi32>], vector<16xf32>,
    %add3A_105 = arith.addf %add3A_101, %gather3A_104 : vector<16xf32>
    %get3A_106 = arith.constant 416 : index
    %get3A_107 = tpu.vector_load %arg8[%get3A_106] {strides = array<i32>} : memref<512xi32, #tpu.memory_space<vmem>>, vector<16xi32>,
    %gather3A_108 = tpu.vector_load_idx %arg10[%get3A_107] : memref<1000xf32, #tpu.memory_space<vmem>>[vector<16xi32>], vector<16xf32>,
    %add3A_109 = arith.addf %add3A_105, %gather3A_108 : vector<16xf32>
    %get3A_110 = arith.constant 432 : index
    %get3A_111 = tpu.vector_load %arg8[%get3A_110] {strides = array<i32>} : memref<512xi32, #tpu.memory_space<vmem>>, vector<16xi32>,
    %gather3A_112 = tpu.vector_load_idx %arg10[%get3A_111] : memref<1000xf32, #tpu.memory_space<vmem>>[vector<16xi32>], vector<16xf32>,
    %add3A_113 = arith.addf %add3A_109, %gather3A_112 : vector<16xf32>
    %get3A_114 = arith.constant 448 : index
    %get3A_115 = tpu.vector_load %arg8[%get3A_114] {strides = array<i32>} : memref<512xi32, #tpu.memory_space<vmem>>, vector<16xi32>,
    %gather3A_116 = tpu.vector_load_idx %arg10[%get3A_115] : memref<1000xf32, #tpu.memory_space<vmem>>[vector<16xi32>], vector<16xf32>,
    %add3A_117 = arith.addf %add3A_113, %gather3A_116 : vector<16xf32>
    %get3A_118 = arith.constant 464 : index
    %get3A_119 = tpu.vector_load %arg8[%get3A_118] {strides = array<i32>} : memref<512xi32, #tpu.memory_space<vmem>>, vector<16xi32>,
    %gather3A_120 = tpu.vector_load_idx %arg10[%get3A_119] : memref<1000xf32, #tpu.memory_space<vmem>>[vector<16xi32>], vector<16xf32>,
    %add3A_121 = arith.addf %add3A_117, %gather3A_120 : vector<16xf32>
    %get3A_122 = arith.constant 480 : index
    %get3A_123 = tpu.vector_load %arg8[%get3A_122] {strides = array<i32>} : memref<512xi32, #tpu.memory_space<vmem>>, vector<16xi32>,
    %gather3A_124 = tpu.vector_load_idx %arg10[%get3A_123] : memref<1000xf32, #tpu.memory_space<vmem>>[vector<16xi32>], vector<16xf32>,
    %add3A_125 = arith.addf %add3A_121, %gather3A_124 : vector<16xf32>
    %get3A_126 = arith.constant 496 : index
    %get3A_127 = tpu.vector_load %arg8[%get3A_126] {strides = array<i32>} : memref<512xi32, #tpu.memory_space<vmem>>, vector<16xi32>,
    %gather3A_128 = tpu.vector_load_idx %arg10[%get3A_127] : memref<1000xf32, #tpu.memory_space<vmem>>[vector<16xi32>], vector<16xf32>,
    %add3A_129 = arith.addf %add3A_125, %gather3A_128 : vector<16xf32>
    %mul3A_130 = arith.constant 0 : i32
    %mul3A_131 = arith.constant 16 : i32
    %mul3A_132 = arith.muli %mul3A_130, %mul3A_131 : i32
    %dma_start3A = tpu.memref_slice %arg8[%mul3A_132] : memref<512xi32, #tpu.memory_space<vmem>> -> memref<16xi32, #tpu.memory_space<vmem>>
    %dma_start3A_133 = arith.constant 0 : i32
    %dma_start3A_134 = arith.constant 0 : i32
    %dma_start3A_135 = tpu.memref_slice %arg2[%dma_start3A_133, %dma_start3A_134] : memref<1000x1000xf32, #tpu.memory_space<hbm>> -> memref<1000x1000xf32, #tpu.memory_space<hbm>>
    tpu.enqueue_indirect_dma source(%dma_start3A_135 : memref<1000x1000xf32, #tpu.memory_space<hbm>>) target(%arg11 : memref<16x1000xf32, #tpu.memory_space<vmem>>) offsets(%dma_start3A : memref<16xi32, #tpu.memory_space<vmem>>) semaphore(%arg16 : memref<!tpu.dma_semaphore, #tpu.memory_space<semaphore_mem>>)
    %scan3A = arith.constant 0 : i32
    %scan3A_136 = arith.constant 16 : i32
    %scan3A_137 = arith.addi %scan3A, %scan3A_136 : i32
    %scan3A_138 = arith.constant 1 : i32
    %scan3A_139 = scf.for %scan3A_163 = %scan3A to %scan3A_137 step %scan3A_138 iter_args(%scan3A_164 = %add3A_129) -> (vector<16xf32>)  : i32 {
      %mul3A_165 = arith.constant 2 : i32
      %mul3A_166 = arith.muli %mul3A_165, %scan3A_163 : i32
      %add3A_167 = arith.constant 1 : i32
      %add3A_168 = arith.addi %mul3A_166, %add3A_167 : i32
      %mul3A_169 = arith.constant 16 : i32
      %mul3A_170 = arith.muli %add3A_168, %mul3A_169 : i32
      %dma_start3A_171 = tpu.memref_slice %arg8[%mul3A_170] : memref<512xi32, #tpu.memory_space<vmem>> -> memref<16xi32, #tpu.memory_space<vmem>>
      %dma_start3A_172 = arith.constant 0 : i32
      %dma_start3A_173 = arith.constant 0 : i32
      %dma_start3A_174 = tpu.memref_slice %arg2[%dma_start3A_172, %dma_start3A_173] : memref<1000x1000xf32, #tpu.memory_space<hbm>> -> memref<1000x1000xf32, #tpu.memory_space<hbm>>
      tpu.enqueue_indirect_dma source(%dma_start3A_174 : memref<1000x1000xf32, #tpu.memory_space<hbm>>) target(%arg12 : memref<16x1000xf32, #tpu.memory_space<vmem>>) offsets(%dma_start3A_171 : memref<16xi32, #tpu.memory_space<vmem>>) semaphore(%arg17 : memref<!tpu.dma_semaphore, #tpu.memory_space<semaphore_mem>>)
      %mul3A_175 = arith.constant 16 : i32
      %mul3A_176 = arith.muli %mul3A_166, %mul3A_175 : i32
      %dma_wait3A_177 = tpu.memref_slice %arg8[%mul3A_176] : memref<512xi32, #tpu.memory_space<vmem>> -> memref<16xi32, #tpu.memory_space<vmem>>
      %dma_wait3A_178 = arith.constant 0 : i32
      %dma_wait3A_179 = arith.constant 0 : i32
      %dma_wait3A_180 = tpu.memref_slice %arg2[%dma_wait3A_178, %dma_wait3A_179] : memref<1000x1000xf32, #tpu.memory_space<hbm>> -> memref<1000x1000xf32, #tpu.memory_space<hbm>>
      tpu.wait_indirect_dma semaphore(%arg16 : memref<!tpu.dma_semaphore, #tpu.memory_space<semaphore_mem>>) src(%dma_wait3A_180 : memref<1000x1000xf32, #tpu.memory_space<hbm>>) dst(%arg11 : memref<16x1000xf32, #tpu.memory_space<vmem>>)
      %mul3A_181 = arith.constant 4 : i32
      %mul3A_182 = arith.muli %add3A, %mul3A_181 : i32
      %jit3A = arith.constant 8 : i32
      %div3A = arith.divsi %mul3A_166, %jit3A : i32
      %sign3A = arith.constant 0 : i32
      %sign3A_183 = arith.cmpi sgt, %mul3A_166, %sign3A : i32
      %sign3A_184 = arith.extui %sign3A_183 : i1 to i32
      %sign3A_185 = arith.constant 0 : i32
      %sign3A_186 = arith.cmpi slt, %mul3A_166, %sign3A_185 : i32
      %sign3A_187 = arith.extui %sign3A_186 : i1 to i32
      %sign3A_188 = arith.subi %sign3A_184, %sign3A_187 : i32
      %sign3A_189 = arith.constant 0 : i32
      %sign3A_190 = arith.cmpi sgt, %jit3A, %sign3A_189 : i32
      %sign3A_191 = arith.extui %sign3A_190 : i1 to i32
      %sign3A_192 = arith.constant 0 : i32
      %sign3A_193 = arith.cmpi slt, %jit3A, %sign3A_192 : i32
      %sign3A_194 = arith.extui %sign3A_193 : i1 to i32
      %sign3A_195 = arith.subi %sign3A_191, %sign3A_194 : i32
      %ne3A = arith.cmpi ne, %sign3A_188, %sign3A_195 : i32
      %rem3A = arith.remsi %mul3A_166, %jit3A : i32
      %ne3A_196 = arith.constant 0 : i32
      %ne3A_197 = arith.cmpi ne, %rem3A, %ne3A_196 : i32
      %and3A = arith.andi %ne3A, %ne3A_197 : i1
      %sub3A = arith.constant 1 : i32
      %sub3A_198 = arith.subi %div3A, %sub3A : i32
      %select_n3A = arith.select %and3A, %sub3A_198, %div3A : i32
      %add3A_199 = arith.addi %mul3A_182, %select_n3A : i32
      %jit3A_200 = arith.constant 8 : i32
      %div3A_201 = arith.divsi %mul3A_166, %jit3A_200 : i32
      %sign3A_202 = arith.constant 0 : i32
      %sign3A_203 = arith.cmpi sgt, %mul3A_166, %sign3A_202 : i32
      %sign3A_204 = arith.extui %sign3A_203 : i1 to i32
      %sign3A_205 = arith.constant 0 : i32
      %sign3A_206 = arith.cmpi slt, %mul3A_166, %sign3A_205 : i32
      %sign3A_207 = arith.extui %sign3A_206 : i1 to i32
      %sign3A_208 = arith.subi %sign3A_204, %sign3A_207 : i32
      %sign3A_209 = arith.constant 0 : i32
      %sign3A_210 = arith.cmpi sgt, %jit3A_200, %sign3A_209 : i32
      %sign3A_211 = arith.extui %sign3A_210 : i1 to i32
      %sign3A_212 = arith.constant 0 : i32
      %sign3A_213 = arith.cmpi slt, %jit3A_200, %sign3A_212 : i32
      %sign3A_214 = arith.extui %sign3A_213 : i1 to i32
      %sign3A_215 = arith.subi %sign3A_211, %sign3A_214 : i32
      %ne3A_216 = arith.cmpi ne, %sign3A_208, %sign3A_215 : i32
      %rem3A_217 = arith.remsi %mul3A_166, %jit3A_200 : i32
      %ne3A_218 = arith.constant 0 : i32
      %ne3A_219 = arith.cmpi ne, %rem3A_217, %ne3A_218 : i32
      %and3A_220 = arith.andi %ne3A_216, %ne3A_219 : i1
      %sub3A_221 = arith.constant 1 : i32
      %sub3A_222 = arith.subi %div3A_201, %sub3A_221 : i32
      %select_n3A_223 = arith.select %and3A_220, %sub3A_222, %div3A_201 : i32
      %mul3A_224 = arith.constant 8 : i32
      %mul3A_225 = arith.muli %select_n3A_223, %mul3A_224 : i32
      %sub3A_226 = arith.subi %mul3A_166, %mul3A_225 : i32
      %mul3A_227 = arith.constant 16 : i32
      %mul3A_228 = arith.muli %sub3A_226, %mul3A_227 : i32
      %ge3A = arith.constant 2 : i32
      %ge3A_229 = arith.cmpi sge, %mul3A_166, %ge3A : i32
      %convert_element_type3A = arith.extui %ge3A_229 : i1 to i32
      %cond3A = arith.constant 0 : i32
      %cond3A_230 = arith.cmpi ne, %convert_element_type3A, %cond3A : i32
      scf.if %cond3A_230 {
        %dma_wait3A_339 = arith.constant 0 : i32
        %dma_wait3A_340 = arith.constant 0 : i32
        %dma_wait3A_341 = tpu.memref_slice %arg6[%dma_wait3A_339, %add3A_199, %dma_wait3A_340, %mul3A_228] : memref<125x128x8x128xf32, #tpu.memory_space<hbm>> -> memref<125x1x8x16xf32, #tpu.memory_space<hbm>>
        %dma_wait3A_342 = tpu.memref_squeeze %dma_wait3A_341 : memref<125x1x8x16xf32, #tpu.memory_space<hbm>> -> memref<125x8x16xf32, #tpu.memory_space<hbm>>
        %dma_wait3A_343 = arith.constant 0 : i32
        %dma_wait3A_344 = arith.constant 0 : i32
        %dma_wait3A_345 = tpu.memref_slice %arg6[%dma_wait3A_343, %add3A_199, %dma_wait3A_344, %mul3A_228] : memref<125x128x8x128xf32, #tpu.memory_space<hbm>> -> memref<125x1x8x16xf32, #tpu.memory_space<hbm>>
        %dma_wait3A_346 = tpu.memref_squeeze %dma_wait3A_345 : memref<125x1x8x16xf32, #tpu.memory_space<hbm>> -> memref<125x8x16xf32, #tpu.memory_space<hbm>>
        tpu.wait_dma2 semaphore(%arg18 : memref<!tpu.dma_semaphore, #tpu.memory_space<semaphore_mem>>) src(%arg13 : memref<125x8x16xf32, #tpu.memory_space<vmem>>) dst(%dma_wait3A_346 : memref<125x8x16xf32, #tpu.memory_space<hbm>>)
      } else {
      }
      %parallel_loop3A = arith.constant 0 : i32
      %parallel_loop3A_231 = arith.constant 125 : i32
      %parallel_loop3A_232 = arith.constant 1 : i32
      scf.for %parallel_loop3A_339 = %parallel_loop3A to %parallel_loop3A_231 step %parallel_loop3A_232  : i32 {
        %parallel_loop3A_340 = arith.constant 8 : i32
        %parallel_loop3A_341 = arith.muli %parallel_loop3A_339, %parallel_loop3A_340 : i32
        %parallel_loop3A_342 = arith.constant 0 : i32
        %parallel_loop3A_343 = arith.addi %parallel_loop3A_341, %parallel_loop3A_342 : i32
        %parallel_loop3A_344 = vector.broadcast %parallel_loop3A_343 : i32 to vector<16xi32>
        %parallel_loop3A_345 = tpu.vector_load_idx %arg11[%iota3A, %parallel_loop3A_344] : memref<16x1000xf32, #tpu.memory_space<vmem>>[vector<16xi32>, vector<16xi32>], vector<16xf32>,
        %parallel_loop3A_346 = arith.constant 0 : i32
        %parallel_loop3A_347 = arith.index_cast %parallel_loop3A_339 : i32 to index
        %parallel_loop3A_348 = arith.index_cast %parallel_loop3A_346 : i32 to index
        %parallel_loop3A_349 = arith.constant 0 : index
        %parallel_loop3A_350 = tpu.vector_load %arg13[%parallel_loop3A_347, %parallel_loop3A_348, %parallel_loop3A_349] {strides = array<i32>} : memref<125x8x16xf32, #tpu.memory_space<vmem>>, vector<16xf32>,
        tpu.vector_store %arg13[%parallel_loop3A_347, %parallel_loop3A_348, %parallel_loop3A_349], %parallel_loop3A_345 {strides = array<i32>} : memref<125x8x16xf32, #tpu.memory_space<vmem>>, vector<16xf32>,
        %parallel_loop3A_351 = arith.constant 8 : i32
        %parallel_loop3A_352 = arith.muli %parallel_loop3A_339, %parallel_loop3A_351 : i32
        %parallel_loop3A_353 = arith.constant 1 : i32
        %parallel_loop3A_354 = arith.addi %parallel_loop3A_352, %parallel_loop3A_353 : i32
        %parallel_loop3A_355 = vector.broadcast %parallel_loop3A_354 : i32 to vector<16xi32>
        %parallel_loop3A_356 = tpu.vector_load_idx %arg11[%iota3A, %parallel_loop3A_355] : memref<16x1000xf32, #tpu.memory_space<vmem>>[vector<16xi32>, vector<16xi32>], vector<16xf32>,
        %parallel_loop3A_357 = arith.constant 1 : i32
        %parallel_loop3A_358 = arith.index_cast %parallel_loop3A_339 : i32 to index
        %parallel_loop3A_359 = arith.index_cast %parallel_loop3A_357 : i32 to index
        %parallel_loop3A_360 = arith.constant 0 : index
        %parallel_loop3A_361 = tpu.vector_load %arg13[%parallel_loop3A_358, %parallel_loop3A_359, %parallel_loop3A_360] {strides = array<i32>} : memref<125x8x16xf32, #tpu.memory_space<vmem>>, vector<16xf32>,
        tpu.vector_store %arg13[%parallel_loop3A_358, %parallel_loop3A_359, %parallel_loop3A_360], %parallel_loop3A_356 {strides = array<i32>} : memref<125x8x16xf32, #tpu.memory_space<vmem>>, vector<16xf32>,
        %parallel_loop3A_362 = arith.constant 8 : i32
        %parallel_loop3A_363 = arith.muli %parallel_loop3A_339, %parallel_loop3A_362 : i32
        %parallel_loop3A_364 = arith.constant 2 : i32
        %parallel_loop3A_365 = arith.addi %parallel_loop3A_363, %parallel_loop3A_364 : i32
        %parallel_loop3A_366 = vector.broadcast %parallel_loop3A_365 : i32 to vector<16xi32>
        %parallel_loop3A_367 = tpu.vector_load_idx %arg11[%iota3A, %parallel_loop3A_366] : memref<16x1000xf32, #tpu.memory_space<vmem>>[vector<16xi32>, vector<16xi32>], vector<16xf32>,
        %parallel_loop3A_368 = arith.constant 2 : i32
        %parallel_loop3A_369 = arith.index_cast %parallel_loop3A_339 : i32 to index
        %parallel_loop3A_370 = arith.index_cast %parallel_loop3A_368 : i32 to index
        %parallel_loop3A_371 = arith.constant 0 : index
        %parallel_loop3A_372 = tpu.vector_load %arg13[%parallel_loop3A_369, %parallel_loop3A_370, %parallel_loop3A_371] {strides = array<i32>} : memref<125x8x16xf32, #tpu.memory_space<vmem>>, vector<16xf32>,
        tpu.vector_store %arg13[%parallel_loop3A_369, %parallel_loop3A_370, %parallel_loop3A_371], %parallel_loop3A_367 {strides = array<i32>} : memref<125x8x16xf32, #tpu.memory_space<vmem>>, vector<16xf32>,
        %parallel_loop3A_373 = arith.constant 8 : i32
        %parallel_loop3A_374 = arith.muli %parallel_loop3A_339, %parallel_loop3A_373 : i32
        %parallel_loop3A_375 = arith.constant 3 : i32
        %parallel_loop3A_376 = arith.addi %parallel_loop3A_374, %parallel_loop3A_375 : i32
        %parallel_loop3A_377 = vector.broadcast %parallel_loop3A_376 : i32 to vector<16xi32>
        %parallel_loop3A_378 = tpu.vector_load_idx %arg11[%iota3A, %parallel_loop3A_377] : memref<16x1000xf32, #tpu.memory_space<vmem>>[vector<16xi32>, vector<16xi32>], vector<16xf32>,
        %parallel_loop3A_379 = arith.constant 3 : i32
        %parallel_loop3A_380 = arith.index_cast %parallel_loop3A_339 : i32 to index
        %parallel_loop3A_381 = arith.index_cast %parallel_loop3A_379 : i32 to index
        %parallel_loop3A_382 = arith.constant 0 : index
        %parallel_loop3A_383 = tpu.vector_load %arg13[%parallel_loop3A_380, %parallel_loop3A_381, %parallel_loop3A_382] {strides = array<i32>} : memref<125x8x16xf32, #tpu.memory_space<vmem>>, vector<16xf32>,
        tpu.vector_store %arg13[%parallel_loop3A_380, %parallel_loop3A_381, %parallel_loop3A_382], %parallel_loop3A_378 {strides = array<i32>} : memref<125x8x16xf32, #tpu.memory_space<vmem>>, vector<16xf32>,
        %parallel_loop3A_384 = arith.constant 8 : i32
        %parallel_loop3A_385 = arith.muli %parallel_loop3A_339, %parallel_loop3A_384 : i32
        %parallel_loop3A_386 = arith.constant 4 : i32
        %parallel_loop3A_387 = arith.addi %parallel_loop3A_385, %parallel_loop3A_386 : i32
        %parallel_loop3A_388 = vector.broadcast %parallel_loop3A_387 : i32 to vector<16xi32>
        %parallel_loop3A_389 = tpu.vector_load_idx %arg11[%iota3A, %parallel_loop3A_388] : memref<16x1000xf32, #tpu.memory_space<vmem>>[vector<16xi32>, vector<16xi32>], vector<16xf32>,
        %parallel_loop3A_390 = arith.constant 4 : i32
        %parallel_loop3A_391 = arith.index_cast %parallel_loop3A_339 : i32 to index
        %parallel_loop3A_392 = arith.index_cast %parallel_loop3A_390 : i32 to index
        %parallel_loop3A_393 = arith.constant 0 : index
        %parallel_loop3A_394 = tpu.vector_load %arg13[%parallel_loop3A_391, %parallel_loop3A_392, %parallel_loop3A_393] {strides = array<i32>} : memref<125x8x16xf32, #tpu.memory_space<vmem>>, vector<16xf32>,
        tpu.vector_store %arg13[%parallel_loop3A_391, %parallel_loop3A_392, %parallel_loop3A_393], %parallel_loop3A_389 {strides = array<i32>} : memref<125x8x16xf32, #tpu.memory_space<vmem>>, vector<16xf32>,
        %parallel_loop3A_395 = arith.constant 8 : i32
        %parallel_loop3A_396 = arith.muli %parallel_loop3A_339, %parallel_loop3A_395 : i32
        %parallel_loop3A_397 = arith.constant 5 : i32
        %parallel_loop3A_398 = arith.addi %parallel_loop3A_396, %parallel_loop3A_397 : i32
        %parallel_loop3A_399 = vector.broadcast %parallel_loop3A_398 : i32 to vector<16xi32>
        %parallel_loop3A_400 = tpu.vector_load_idx %arg11[%iota3A, %parallel_loop3A_399] : memref<16x1000xf32, #tpu.memory_space<vmem>>[vector<16xi32>, vector<16xi32>], vector<16xf32>,
        %parallel_loop3A_401 = arith.constant 5 : i32
        %parallel_loop3A_402 = arith.index_cast %parallel_loop3A_339 : i32 to index
        %parallel_loop3A_403 = arith.index_cast %parallel_loop3A_401 : i32 to index
        %parallel_loop3A_404 = arith.constant 0 : index
        %parallel_loop3A_405 = tpu.vector_load %arg13[%parallel_loop3A_402, %parallel_loop3A_403, %parallel_loop3A_404] {strides = array<i32>} : memref<125x8x16xf32, #tpu.memory_space<vmem>>, vector<16xf32>,
        tpu.vector_store %arg13[%parallel_loop3A_402, %parallel_loop3A_403, %parallel_loop3A_404], %parallel_loop3A_400 {strides = array<i32>} : memref<125x8x16xf32, #tpu.memory_space<vmem>>, vector<16xf32>,
        %parallel_loop3A_406 = arith.constant 8 : i32
        %parallel_loop3A_407 = arith.muli %parallel_loop3A_339, %parallel_loop3A_406 : i32
        %parallel_loop3A_408 = arith.constant 6 : i32
        %parallel_loop3A_409 = arith.addi %parallel_loop3A_407, %parallel_loop3A_408 : i32
        %parallel_loop3A_410 = vector.broadcast %parallel_loop3A_409 : i32 to vector<16xi32>
        %parallel_loop3A_411 = tpu.vector_load_idx %arg11[%iota3A, %parallel_loop3A_410] : memref<16x1000xf32, #tpu.memory_space<vmem>>[vector<16xi32>, vector<16xi32>], vector<16xf32>,
        %parallel_loop3A_412 = arith.constant 6 : i32
        %parallel_loop3A_413 = arith.index_cast %parallel_loop3A_339 : i32 to index
        %parallel_loop3A_414 = arith.index_cast %parallel_loop3A_412 : i32 to index
        %parallel_loop3A_415 = arith.constant 0 : index
        %parallel_loop3A_416 = tpu.vector_load %arg13[%parallel_loop3A_413, %parallel_loop3A_414, %parallel_loop3A_415] {strides = array<i32>} : memref<125x8x16xf32, #tpu.memory_space<vmem>>, vector<16xf32>,
        tpu.vector_store %arg13[%parallel_loop3A_413, %parallel_loop3A_414, %parallel_loop3A_415], %parallel_loop3A_411 {strides = array<i32>} : memref<125x8x16xf32, #tpu.memory_space<vmem>>, vector<16xf32>,
        %parallel_loop3A_417 = arith.constant 8 : i32
        %parallel_loop3A_418 = arith.muli %parallel_loop3A_339, %parallel_loop3A_417 : i32
        %parallel_loop3A_419 = arith.constant 7 : i32
        %parallel_loop3A_420 = arith.addi %parallel_loop3A_418, %parallel_loop3A_419 : i32
        %parallel_loop3A_421 = vector.broadcast %parallel_loop3A_420 : i32 to vector<16xi32>
        %parallel_loop3A_422 = tpu.vector_load_idx %arg11[%iota3A, %parallel_loop3A_421] : memref<16x1000xf32, #tpu.memory_space<vmem>>[vector<16xi32>, vector<16xi32>], vector<16xf32>,
        %parallel_loop3A_423 = arith.constant 7 : i32
        %parallel_loop3A_424 = arith.index_cast %parallel_loop3A_339 : i32 to index
        %parallel_loop3A_425 = arith.index_cast %parallel_loop3A_423 : i32 to index
        %parallel_loop3A_426 = arith.constant 0 : index
        %parallel_loop3A_427 = tpu.vector_load %arg13[%parallel_loop3A_424, %parallel_loop3A_425, %parallel_loop3A_426] {strides = array<i32>} : memref<125x8x16xf32, #tpu.memory_space<vmem>>, vector<16xf32>,
        tpu.vector_store %arg13[%parallel_loop3A_424, %parallel_loop3A_425, %parallel_loop3A_426], %parallel_loop3A_422 {strides = array<i32>} : memref<125x8x16xf32, #tpu.memory_space<vmem>>, vector<16xf32>,
      } {sc.loop_unroll_factor = 2 : i64, sc.parallel_access}
      %mul3A_233 = arith.constant 16 : i32
      %mul3A_234 = arith.muli %mul3A_166, %mul3A_233 : i32
      %get3A_235 = arith.index_cast %mul3A_234 : i32 to index
      %get3A_236 = tpu.vector_load %arg9[%get3A_235] {strides = array<i32>} : memref<512xi32, #tpu.memory_space<vmem>>, vector<16xi32>,
      %gather3A_237 = tpu.vector_load_idx %arg11[%iota3A, %get3A_236] : memref<16x1000xf32, #tpu.memory_space<vmem>>[vector<16xi32>, vector<16xi32>], vector<16xf32>,
      %sub3A_238 = arith.subf %scan3A_164, %gather3A_237 : vector<16xf32>
      %dma_start3A_239 = arith.constant 0 : i32
      %dma_start3A_240 = arith.constant 0 : i32
      %dma_start3A_241 = tpu.memref_slice %arg6[%dma_start3A_239, %add3A_199, %dma_start3A_240, %mul3A_228] : memref<125x128x8x128xf32, #tpu.memory_space<hbm>> -> memref<125x1x8x16xf32, #tpu.memory_space<hbm>>
      %dma_start3A_242 = tpu.memref_squeeze %dma_start3A_241 : memref<125x1x8x16xf32, #tpu.memory_space<hbm>> -> memref<125x8x16xf32, #tpu.memory_space<hbm>>
      %dma_start3A_243 = arith.constant 0 : i32
      %dma_start3A_244 = arith.constant 0 : i32
      %dma_start3A_245 = tpu.memref_slice %arg6[%dma_start3A_243, %add3A_199, %dma_start3A_244, %mul3A_228] : memref<125x128x8x128xf32, #tpu.memory_space<hbm>> -> memref<125x1x8x16xf32, #tpu.memory_space<hbm>>
      %dma_start3A_246 = tpu.memref_squeeze %dma_start3A_245 : memref<125x1x8x16xf32, #tpu.memory_space<hbm>> -> memref<125x8x16xf32, #tpu.memory_space<hbm>>
      tpu.enqueue_dma source(%arg13 : memref<125x8x16xf32, #tpu.memory_space<vmem>>) target(%dma_start3A_246 : memref<125x8x16xf32, #tpu.memory_space<hbm>>) target_semaphore(%arg18 : memref<!tpu.dma_semaphore, #tpu.memory_space<semaphore_mem>>)
      %add3A_247 = arith.constant 2 : i32
      %add3A_248 = arith.addi %mul3A_166, %add3A_247 : i32
      %lt3A = arith.constant 32 : i32
      %lt3A_249 = arith.cmpi slt, %add3A_248, %lt3A : i32
      %convert_element_type3A_250 = arith.extui %lt3A_249 : i1 to i32
      %cond3A_251 = arith.constant 0 : i32
      %cond3A_252 = arith.cmpi ne, %convert_element_type3A_250, %cond3A_251 : i32
      scf.if %cond3A_252 {
        %add3A_339 = arith.constant 2 : i32
        %add3A_340 = arith.addi %mul3A_166, %add3A_339 : i32
        %mul3A_341 = arith.constant 16 : i32
        %mul3A_342 = arith.muli %add3A_340, %mul3A_341 : i32
        %dma_start3A_343 = tpu.memref_slice %arg8[%mul3A_342] : memref<512xi32, #tpu.memory_space<vmem>> -> memref<16xi32, #tpu.memory_space<vmem>>
        %dma_start3A_344 = arith.constant 0 : i32
        %dma_start3A_345 = arith.constant 0 : i32
        %dma_start3A_346 = tpu.memref_slice %arg2[%dma_start3A_344, %dma_start3A_345] : memref<1000x1000xf32, #tpu.memory_space<hbm>> -> memref<1000x1000xf32, #tpu.memory_space<hbm>>
        tpu.enqueue_indirect_dma source(%dma_start3A_346 : memref<1000x1000xf32, #tpu.memory_space<hbm>>) target(%arg11 : memref<16x1000xf32, #tpu.memory_space<vmem>>) offsets(%dma_start3A_343 : memref<16xi32, #tpu.memory_space<vmem>>) semaphore(%arg16 : memref<!tpu.dma_semaphore, #tpu.memory_space<semaphore_mem>>)
      } else {
      }
      %add3A_253 = arith.constant 1 : i32
      %add3A_254 = arith.addi %mul3A_166, %add3A_253 : i32
      %mul3A_255 = arith.constant 16 : i32
      %mul3A_256 = arith.muli %add3A_254, %mul3A_255 : i32
      %dma_wait3A_257 = tpu.memref_slice %arg8[%mul3A_256] : memref<512xi32, #tpu.memory_space<vmem>> -> memref<16xi32, #tpu.memory_space<vmem>>
      %dma_wait3A_258 = arith.constant 0 : i32
      %dma_wait3A_259 = arith.constant 0 : i32
      %dma_wait3A_260 = tpu.memref_slice %arg2[%dma_wait3A_258, %dma_wait3A_259] : memref<1000x1000xf32, #tpu.memory_space<hbm>> -> memref<1000x1000xf32, #tpu.memory_space<hbm>>
      tpu.wait_indirect_dma semaphore(%arg17 : memref<!tpu.dma_semaphore, #tpu.memory_space<semaphore_mem>>) src(%dma_wait3A_260 : memref<1000x1000xf32, #tpu.memory_space<hbm>>) dst(%arg12 : memref<16x1000xf32, #tpu.memory_space<vmem>>)
      %mul3A_261 = arith.constant 4 : i32
      %mul3A_262 = arith.muli %add3A, %mul3A_261 : i32
      %jit3A_263 = arith.constant 8 : i32
      %div3A_264 = arith.divsi %add3A_254, %jit3A_263 : i32
      %sign3A_265 = arith.constant 0 : i32
      %sign3A_266 = arith.cmpi sgt, %add3A_254, %sign3A_265 : i32
      %sign3A_267 = arith.extui %sign3A_266 : i1 to i32
      %sign3A_268 = arith.constant 0 : i32
      %sign3A_269 = arith.cmpi slt, %add3A_254, %sign3A_268 : i32
      %sign3A_270 = arith.extui %sign3A_269 : i1 to i32
      %sign3A_271 = arith.subi %sign3A_267, %sign3A_270 : i32
      %sign3A_272 = arith.constant 0 : i32
      %sign3A_273 = arith.cmpi sgt, %jit3A_263, %sign3A_272 : i32
      %sign3A_274 = arith.extui %sign3A_273 : i1 to i32
      %sign3A_275 = arith.constant 0 : i32
      %sign3A_276 = arith.cmpi slt, %jit3A_263, %sign3A_275 : i32
      %sign3A_277 = arith.extui %sign3A_276 : i1 to i32
      %sign3A_278 = arith.subi %sign3A_274, %sign3A_277 : i32
      %ne3A_279 = arith.cmpi ne, %sign3A_271, %sign3A_278 : i32
      %rem3A_280 = arith.remsi %add3A_254, %jit3A_263 : i32
      %ne3A_281 = arith.constant 0 : i32
      %ne3A_282 = arith.cmpi ne, %rem3A_280, %ne3A_281 : i32
      %and3A_283 = arith.andi %ne3A_279, %ne3A_282 : i1
      %sub3A_284 = arith.constant 1 : i32
      %sub3A_285 = arith.subi %div3A_264, %sub3A_284 : i32
      %select_n3A_286 = arith.select %and3A_283, %sub3A_285, %div3A_264 : i32
      %add3A_287 = arith.addi %mul3A_262, %select_n3A_286 : i32
      %jit3A_288 = arith.constant 8 : i32
      %div3A_289 = arith.divsi %add3A_254, %jit3A_288 : i32
      %sign3A_290 = arith.constant 0 : i32
      %sign3A_291 = arith.cmpi sgt, %add3A_254, %sign3A_290 : i32
      %sign3A_292 = arith.extui %sign3A_291 : i1 to i32
      %sign3A_293 = arith.constant 0 : i32
      %sign3A_294 = arith.cmpi slt, %add3A_254, %sign3A_293 : i32
      %sign3A_295 = arith.extui %sign3A_294 : i1 to i32
      %sign3A_296 = arith.subi %sign3A_292, %sign3A_295 : i32
      %sign3A_297 = arith.constant 0 : i32
      %sign3A_298 = arith.cmpi sgt, %jit3A_288, %sign3A_297 : i32
      %sign3A_299 = arith.extui %sign3A_298 : i1 to i32
      %sign3A_300 = arith.constant 0 : i32
      %sign3A_301 = arith.cmpi slt, %jit3A_288, %sign3A_300 : i32
      %sign3A_302 = arith.extui %sign3A_301 : i1 to i32
      %sign3A_303 = arith.subi %sign3A_299, %sign3A_302 : i32
      %ne3A_304 = arith.cmpi ne, %sign3A_296, %sign3A_303 : i32
      %rem3A_305 = arith.remsi %add3A_254, %jit3A_288 : i32
      %ne3A_306 = arith.constant 0 : i32
      %ne3A_307 = arith.cmpi ne, %rem3A_305, %ne3A_306 : i32
      %and3A_308 = arith.andi %ne3A_304, %ne3A_307 : i1
      %sub3A_309 = arith.constant 1 : i32
      %sub3A_310 = arith.subi %div3A_289, %sub3A_309 : i32
      %select_n3A_311 = arith.select %and3A_308, %sub3A_310, %div3A_289 : i32
      %mul3A_312 = arith.constant 8 : i32
      %mul3A_313 = arith.muli %select_n3A_311, %mul3A_312 : i32
      %sub3A_314 = arith.subi %add3A_254, %mul3A_313 : i32
      %mul3A_315 = arith.constant 16 : i32
      %mul3A_316 = arith.muli %sub3A_314, %mul3A_315 : i32
      %ge3A_317 = arith.constant 2 : i32
      %ge3A_318 = arith.cmpi sge, %add3A_254, %ge3A_317 : i32
      %convert_element_type3A_319 = arith.extui %ge3A_318 : i1 to i32
      %cond3A_320 = arith.constant 0 : i32
      %cond3A_321 = arith.cmpi ne, %convert_element_type3A_319, %cond3A_320 : i32
      scf.if %cond3A_321 {
        %dma_wait3A_339 = arith.constant 0 : i32
        %dma_wait3A_340 = arith.constant 0 : i32
        %dma_wait3A_341 = tpu.memref_slice %arg6[%dma_wait3A_339, %add3A_287, %dma_wait3A_340, %mul3A_316] : memref<125x128x8x128xf32, #tpu.memory_space<hbm>> -> memref<125x1x8x16xf32, #tpu.memory_space<hbm>>
        %dma_wait3A_342 = tpu.memref_squeeze %dma_wait3A_341 : memref<125x1x8x16xf32, #tpu.memory_space<hbm>> -> memref<125x8x16xf32, #tpu.memory_space<hbm>>
        %dma_wait3A_343 = arith.constant 0 : i32
        %dma_wait3A_344 = arith.constant 0 : i32
        %dma_wait3A_345 = tpu.memref_slice %arg6[%dma_wait3A_343, %add3A_287, %dma_wait3A_344, %mul3A_316] : memref<125x128x8x128xf32, #tpu.memory_space<hbm>> -> memref<125x1x8x16xf32, #tpu.memory_space<hbm>>
        %dma_wait3A_346 = tpu.memref_squeeze %dma_wait3A_345 : memref<125x1x8x16xf32, #tpu.memory_space<hbm>> -> memref<125x8x16xf32, #tpu.memory_space<hbm>>
        tpu.wait_dma2 semaphore(%arg19 : memref<!tpu.dma_semaphore, #tpu.memory_space<semaphore_mem>>) src(%arg14 : memref<125x8x16xf32, #tpu.memory_space<vmem>>) dst(%dma_wait3A_346 : memref<125x8x16xf32, #tpu.memory_space<hbm>>)
      } else {
      }
      %parallel_loop3A_322 = arith.constant 0 : i32
      %parallel_loop3A_323 = arith.constant 125 : i32
      %parallel_loop3A_324 = arith.constant 1 : i32
      scf.for %parallel_loop3A_339 = %parallel_loop3A_322 to %parallel_loop3A_323 step %parallel_loop3A_324  : i32 {
        %parallel_loop3A_340 = arith.constant 8 : i32
        %parallel_loop3A_341 = arith.muli %parallel_loop3A_339, %parallel_loop3A_340 : i32
        %parallel_loop3A_342 = arith.constant 0 : i32
        %parallel_loop3A_343 = arith.addi %parallel_loop3A_341, %parallel_loop3A_342 : i32
        %parallel_loop3A_344 = vector.broadcast %parallel_loop3A_343 : i32 to vector<16xi32>
        %parallel_loop3A_345 = tpu.vector_load_idx %arg12[%iota3A, %parallel_loop3A_344] : memref<16x1000xf32, #tpu.memory_space<vmem>>[vector<16xi32>, vector<16xi32>], vector<16xf32>,
        %parallel_loop3A_346 = arith.constant 0 : i32
        %parallel_loop3A_347 = arith.index_cast %parallel_loop3A_339 : i32 to index
        %parallel_loop3A_348 = arith.index_cast %parallel_loop3A_346 : i32 to index
        %parallel_loop3A_349 = arith.constant 0 : index
        %parallel_loop3A_350 = tpu.vector_load %arg14[%parallel_loop3A_347, %parallel_loop3A_348, %parallel_loop3A_349] {strides = array<i32>} : memref<125x8x16xf32, #tpu.memory_space<vmem>>, vector<16xf32>,
        tpu.vector_store %arg14[%parallel_loop3A_347, %parallel_loop3A_348, %parallel_loop3A_349], %parallel_loop3A_345 {strides = array<i32>} : memref<125x8x16xf32, #tpu.memory_space<vmem>>, vector<16xf32>,
        %parallel_loop3A_351 = arith.constant 8 : i32
        %parallel_loop3A_352 = arith.muli %parallel_loop3A_339, %parallel_loop3A_351 : i32
        %parallel_loop3A_353 = arith.constant 1 : i32
        %parallel_loop3A_354 = arith.addi %parallel_loop3A_352, %parallel_loop3A_353 : i32
        %parallel_loop3A_355 = vector.broadcast %parallel_loop3A_354 : i32 to vector<16xi32>
        %parallel_loop3A_356 = tpu.vector_load_idx %arg12[%iota3A, %parallel_loop3A_355] : memref<16x1000xf32, #tpu.memory_space<vmem>>[vector<16xi32>, vector<16xi32>], vector<16xf32>,
        %parallel_loop3A_357 = arith.constant 1 : i32
        %parallel_loop3A_358 = arith.index_cast %parallel_loop3A_339 : i32 to index
        %parallel_loop3A_359 = arith.index_cast %parallel_loop3A_357 : i32 to index
        %parallel_loop3A_360 = arith.constant 0 : index
        %parallel_loop3A_361 = tpu.vector_load %arg14[%parallel_loop3A_358, %parallel_loop3A_359, %parallel_loop3A_360] {strides = array<i32>} : memref<125x8x16xf32, #tpu.memory_space<vmem>>, vector<16xf32>,
        tpu.vector_store %arg14[%parallel_loop3A_358, %parallel_loop3A_359, %parallel_loop3A_360], %parallel_loop3A_356 {strides = array<i32>} : memref<125x8x16xf32, #tpu.memory_space<vmem>>, vector<16xf32>,
        %parallel_loop3A_362 = arith.constant 8 : i32
        %parallel_loop3A_363 = arith.muli %parallel_loop3A_339, %parallel_loop3A_362 : i32
        %parallel_loop3A_364 = arith.constant 2 : i32
        %parallel_loop3A_365 = arith.addi %parallel_loop3A_363, %parallel_loop3A_364 : i32
        %parallel_loop3A_366 = vector.broadcast %parallel_loop3A_365 : i32 to vector<16xi32>
        %parallel_loop3A_367 = tpu.vector_load_idx %arg12[%iota3A, %parallel_loop3A_366] : memref<16x1000xf32, #tpu.memory_space<vmem>>[vector<16xi32>, vector<16xi32>], vector<16xf32>,
        %parallel_loop3A_368 = arith.constant 2 : i32
        %parallel_loop3A_369 = arith.index_cast %parallel_loop3A_339 : i32 to index
        %parallel_loop3A_370 = arith.index_cast %parallel_loop3A_368 : i32 to index
        %parallel_loop3A_371 = arith.constant 0 : index
        %parallel_loop3A_372 = tpu.vector_load %arg14[%parallel_loop3A_369, %parallel_loop3A_370, %parallel_loop3A_371] {strides = array<i32>} : memref<125x8x16xf32, #tpu.memory_space<vmem>>, vector<16xf32>,
        tpu.vector_store %arg14[%parallel_loop3A_369, %parallel_loop3A_370, %parallel_loop3A_371], %parallel_loop3A_367 {strides = array<i32>} : memref<125x8x16xf32, #tpu.memory_space<vmem>>, vector<16xf32>,
        %parallel_loop3A_373 = arith.constant 8 : i32
        %parallel_loop3A_374 = arith.muli %parallel_loop3A_339, %parallel_loop3A_373 : i32
        %parallel_loop3A_375 = arith.constant 3 : i32
        %parallel_loop3A_376 = arith.addi %parallel_loop3A_374, %parallel_loop3A_375 : i32
        %parallel_loop3A_377 = vector.broadcast %parallel_loop3A_376 : i32 to vector<16xi32>
        %parallel_loop3A_378 = tpu.vector_load_idx %arg12[%iota3A, %parallel_loop3A_377] : memref<16x1000xf32, #tpu.memory_space<vmem>>[vector<16xi32>, vector<16xi32>], vector<16xf32>,
        %parallel_loop3A_379 = arith.constant 3 : i32
        %parallel_loop3A_380 = arith.index_cast %parallel_loop3A_339 : i32 to index
        %parallel_loop3A_381 = arith.index_cast %parallel_loop3A_379 : i32 to index
        %parallel_loop3A_382 = arith.constant 0 : index
        %parallel_loop3A_383 = tpu.vector_load %arg14[%parallel_loop3A_380, %parallel_loop3A_381, %parallel_loop3A_382] {strides = array<i32>} : memref<125x8x16xf32, #tpu.memory_space<vmem>>, vector<16xf32>,
        tpu.vector_store %arg14[%parallel_loop3A_380, %parallel_loop3A_381, %parallel_loop3A_382], %parallel_loop3A_378 {strides = array<i32>} : memref<125x8x16xf32, #tpu.memory_space<vmem>>, vector<16xf32>,
        %parallel_loop3A_384 = arith.constant 8 : i32
        %parallel_loop3A_385 = arith.muli %parallel_loop3A_339, %parallel_loop3A_384 : i32
        %parallel_loop3A_386 = arith.constant 4 : i32
        %parallel_loop3A_387 = arith.addi %parallel_loop3A_385, %parallel_loop3A_386 : i32
        %parallel_loop3A_388 = vector.broadcast %parallel_loop3A_387 : i32 to vector<16xi32>
        %parallel_loop3A_389 = tpu.vector_load_idx %arg12[%iota3A, %parallel_loop3A_388] : memref<16x1000xf32, #tpu.memory_space<vmem>>[vector<16xi32>, vector<16xi32>], vector<16xf32>,
        %parallel_loop3A_390 = arith.constant 4 : i32
        %parallel_loop3A_391 = arith.index_cast %parallel_loop3A_339 : i32 to index
        %parallel_loop3A_392 = arith.index_cast %parallel_loop3A_390 : i32 to index
        %parallel_loop3A_393 = arith.constant 0 : index
        %parallel_loop3A_394 = tpu.vector_load %arg14[%parallel_loop3A_391, %parallel_loop3A_392, %parallel_loop3A_393] {strides = array<i32>} : memref<125x8x16xf32, #tpu.memory_space<vmem>>, vector<16xf32>,
        tpu.vector_store %arg14[%parallel_loop3A_391, %parallel_loop3A_392, %parallel_loop3A_393], %parallel_loop3A_389 {strides = array<i32>} : memref<125x8x16xf32, #tpu.memory_space<vmem>>, vector<16xf32>,
        %parallel_loop3A_395 = arith.constant 8 : i32
        %parallel_loop3A_396 = arith.muli %parallel_loop3A_339, %parallel_loop3A_395 : i32
        %parallel_loop3A_397 = arith.constant 5 : i32
        %parallel_loop3A_398 = arith.addi %parallel_loop3A_396, %parallel_loop3A_397 : i32
        %parallel_loop3A_399 = vector.broadcast %parallel_loop3A_398 : i32 to vector<16xi32>
        %parallel_loop3A_400 = tpu.vector_load_idx %arg12[%iota3A, %parallel_loop3A_399] : memref<16x1000xf32, #tpu.memory_space<vmem>>[vector<16xi32>, vector<16xi32>], vector<16xf32>,
        %parallel_loop3A_401 = arith.constant 5 : i32
        %parallel_loop3A_402 = arith.index_cast %parallel_loop3A_339 : i32 to index
        %parallel_loop3A_403 = arith.index_cast %parallel_loop3A_401 : i32 to index
        %parallel_loop3A_404 = arith.constant 0 : index
        %parallel_loop3A_405 = tpu.vector_load %arg14[%parallel_loop3A_402, %parallel_loop3A_403, %parallel_loop3A_404] {strides = array<i32>} : memref<125x8x16xf32, #tpu.memory_space<vmem>>, vector<16xf32>,
        tpu.vector_store %arg14[%parallel_loop3A_402, %parallel_loop3A_403, %parallel_loop3A_404], %parallel_loop3A_400 {strides = array<i32>} : memref<125x8x16xf32, #tpu.memory_space<vmem>>, vector<16xf32>,
        %parallel_loop3A_406 = arith.constant 8 : i32
        %parallel_loop3A_407 = arith.muli %parallel_loop3A_339, %parallel_loop3A_406 : i32
        %parallel_loop3A_408 = arith.constant 6 : i32
        %parallel_loop3A_409 = arith.addi %parallel_loop3A_407, %parallel_loop3A_408 : i32
        %parallel_loop3A_410 = vector.broadcast %parallel_loop3A_409 : i32 to vector<16xi32>
        %parallel_loop3A_411 = tpu.vector_load_idx %arg12[%iota3A, %parallel_loop3A_410] : memref<16x1000xf32, #tpu.memory_space<vmem>>[vector<16xi32>, vector<16xi32>], vector<16xf32>,
        %parallel_loop3A_412 = arith.constant 6 : i32
        %parallel_loop3A_413 = arith.index_cast %parallel_loop3A_339 : i32 to index
        %parallel_loop3A_414 = arith.index_cast %parallel_loop3A_412 : i32 to index
        %parallel_loop3A_415 = arith.constant 0 : index
        %parallel_loop3A_416 = tpu.vector_load %arg14[%parallel_loop3A_413, %parallel_loop3A_414, %parallel_loop3A_415] {strides = array<i32>} : memref<125x8x16xf32, #tpu.memory_space<vmem>>, vector<16xf32>,
        tpu.vector_store %arg14[%parallel_loop3A_413, %parallel_loop3A_414, %parallel_loop3A_415], %parallel_loop3A_411 {strides = array<i32>} : memref<125x8x16xf32, #tpu.memory_space<vmem>>, vector<16xf32>,
        %parallel_loop3A_417 = arith.constant 8 : i32
        %parallel_loop3A_418 = arith.muli %parallel_loop3A_339, %parallel_loop3A_417 : i32
        %parallel_loop3A_419 = arith.constant 7 : i32
        %parallel_loop3A_420 = arith.addi %parallel_loop3A_418, %parallel_loop3A_419 : i32
        %parallel_loop3A_421 = vector.broadcast %parallel_loop3A_420 : i32 to vector<16xi32>
        %parallel_loop3A_422 = tpu.vector_load_idx %arg12[%iota3A, %parallel_loop3A_421] : memref<16x1000xf32, #tpu.memory_space<vmem>>[vector<16xi32>, vector<16xi32>], vector<16xf32>,
        %parallel_loop3A_423 = arith.constant 7 : i32
        %parallel_loop3A_424 = arith.index_cast %parallel_loop3A_339 : i32 to index
        %parallel_loop3A_425 = arith.index_cast %parallel_loop3A_423 : i32 to index
        %parallel_loop3A_426 = arith.constant 0 : index
        %parallel_loop3A_427 = tpu.vector_load %arg14[%parallel_loop3A_424, %parallel_loop3A_425, %parallel_loop3A_426] {strides = array<i32>} : memref<125x8x16xf32, #tpu.memory_space<vmem>>, vector<16xf32>,
        tpu.vector_store %arg14[%parallel_loop3A_424, %parallel_loop3A_425, %parallel_loop3A_426], %parallel_loop3A_422 {strides = array<i32>} : memref<125x8x16xf32, #tpu.memory_space<vmem>>, vector<16xf32>,
      } {sc.loop_unroll_factor = 2 : i64, sc.parallel_access}
      %mul3A_325 = arith.constant 16 : i32
      %mul3A_326 = arith.muli %add3A_254, %mul3A_325 : i32
      %get3A_327 = arith.index_cast %mul3A_326 : i32 to index
      %get3A_328 = tpu.vector_load %arg9[%get3A_327] {strides = array<i32>} : memref<512xi32, #tpu.memory_space<vmem>>, vector<16xi32>,
      %gather3A_329 = tpu.vector_load_idx %arg12[%iota3A, %get3A_328] : memref<16x1000xf32, #tpu.memory_space<vmem>>[vector<16xi32>, vector<16xi32>], vector<16xf32>,
      %sub3A_330 = arith.subf %sub3A_238, %gather3A_329 : vector<16xf32>
      %dma_start3A_331 = arith.constant 0 : i32
      %dma_start3A_332 = arith.constant 0 : i32
      %dma_start3A_333 = tpu.memref_slice %arg6[%dma_start3A_331, %add3A_287, %dma_start3A_332, %mul3A_316] : memref<125x128x8x128xf32, #tpu.memory_space<hbm>> -> memref<125x1x8x16xf32, #tpu.memory_space<hbm>>
      %dma_start3A_334 = tpu.memref_squeeze %dma_start3A_333 : memref<125x1x8x16xf32, #tpu.memory_space<hbm>> -> memref<125x8x16xf32, #tpu.memory_space<hbm>>
      %dma_start3A_335 = arith.constant 0 : i32
      %dma_start3A_336 = arith.constant 0 : i32
      %dma_start3A_337 = tpu.memref_slice %arg6[%dma_start3A_335, %add3A_287, %dma_start3A_336, %mul3A_316] : memref<125x128x8x128xf32, #tpu.memory_space<hbm>> -> memref<125x1x8x16xf32, #tpu.memory_space<hbm>>
      %dma_start3A_338 = tpu.memref_squeeze %dma_start3A_337 : memref<125x1x8x16xf32, #tpu.memory_space<hbm>> -> memref<125x8x16xf32, #tpu.memory_space<hbm>>
      tpu.enqueue_dma source(%arg14 : memref<125x8x16xf32, #tpu.memory_space<vmem>>) target(%dma_start3A_338 : memref<125x8x16xf32, #tpu.memory_space<hbm>>) target_semaphore(%arg19 : memref<!tpu.dma_semaphore, #tpu.memory_space<semaphore_mem>>)
      scf.yield %sub3A_330 : vector<16xf32>
    }
    %scan3A_140 = arith.constant 16 : i32
    %dma_wait3A = arith.constant 0 : i32
    %dma_wait3A_141 = arith.constant 0 : i32
    %dma_wait3A_142 = arith.constant 0 : i32
    %dma_wait3A_143 = arith.constant 0 : i32
    %dma_wait3A_144 = tpu.memref_slice %arg6[%dma_wait3A_141, %dma_wait3A, %dma_wait3A_142, %dma_wait3A_143] : memref<125x128x8x128xf32, #tpu.memory_space<hbm>> -> memref<125x1x8x16xf32, #tpu.memory_space<hbm>>
    %dma_wait3A_145 = tpu.memref_squeeze %dma_wait3A_144 : memref<125x1x8x16xf32, #tpu.memory_space<hbm>> -> memref<125x8x16xf32, #tpu.memory_space<hbm>>
    %dma_wait3A_146 = arith.constant 0 : i32
    %dma_wait3A_147 = arith.constant 0 : i32
    %dma_wait3A_148 = arith.constant 0 : i32
    %dma_wait3A_149 = tpu.memref_slice %arg6[%dma_wait3A_146, %dma_wait3A, %dma_wait3A_147, %dma_wait3A_148] : memref<125x128x8x128xf32, #tpu.memory_space<hbm>> -> memref<125x1x8x16xf32, #tpu.memory_space<hbm>>
    %dma_wait3A_150 = tpu.memref_squeeze %dma_wait3A_149 : memref<125x1x8x16xf32, #tpu.memory_space<hbm>> -> memref<125x8x16xf32, #tpu.memory_space<hbm>>
    tpu.wait_dma2 semaphore(%arg18 : memref<!tpu.dma_semaphore, #tpu.memory_space<semaphore_mem>>) src(%arg13 : memref<125x8x16xf32, #tpu.memory_space<vmem>>) dst(%dma_wait3A_150 : memref<125x8x16xf32, #tpu.memory_space<hbm>>)
    %dma_wait3A_151 = arith.constant 0 : i32
    %dma_wait3A_152 = arith.constant 0 : i32
    %dma_wait3A_153 = arith.constant 0 : i32
    %dma_wait3A_154 = arith.constant 0 : i32
    %dma_wait3A_155 = tpu.memref_slice %arg6[%dma_wait3A_152, %dma_wait3A_151, %dma_wait3A_153, %dma_wait3A_154] : memref<125x128x8x128xf32, #tpu.memory_space<hbm>> -> memref<125x1x8x16xf32, #tpu.memory_space<hbm>>
    %dma_wait3A_156 = tpu.memref_squeeze %dma_wait3A_155 : memref<125x1x8x16xf32, #tpu.memory_space<hbm>> -> memref<125x8x16xf32, #tpu.memory_space<hbm>>
    %dma_wait3A_157 = arith.constant 0 : i32
    %dma_wait3A_158 = arith.constant 0 : i32
    %dma_wait3A_159 = arith.constant 0 : i32
    %dma_wait3A_160 = tpu.memref_slice %arg6[%dma_wait3A_157, %dma_wait3A_151, %dma_wait3A_158, %dma_wait3A_159] : memref<125x128x8x128xf32, #tpu.memory_space<hbm>> -> memref<125x1x8x16xf32, #tpu.memory_space<hbm>>
    %dma_wait3A_161 = tpu.memref_squeeze %dma_wait3A_160 : memref<125x1x8x16xf32, #tpu.memory_space<hbm>> -> memref<125x8x16xf32, #tpu.memory_space<hbm>>
    tpu.wait_dma2 semaphore(%arg19 : memref<!tpu.dma_semaphore, #tpu.memory_space<semaphore_mem>>) src(%arg14 : memref<125x8x16xf32, #tpu.memory_space<vmem>>) dst(%dma_wait3A_161 : memref<125x8x16xf32, #tpu.memory_space<hbm>>)
    %swap3A = arith.constant 0 : index
    %swap3A_162 = tpu.vector_load %arg15[%swap3A] {strides = array<i32>} : memref<16xf32, #tpu.memory_space<vmem>>, vector<16xf32>,
    tpu.vector_store %arg15[%swap3A], %scan3A_139 {strides = array<i32>} : memref<16xf32, #tpu.memory_space<vmem>>, vector<16xf32>,
    "tpu.region"() ({
      %run_scoped3A = tpu.sem_alloc : memref<!tpu.dma_semaphore, #tpu.memory_space<semaphore_mem>>
      %dma_start3A_163 = arith.constant 0 : i32
      %dma_start3A_164 = tpu.memref_slice %arg7[%add3A, %dma_start3A_163] : memref<32x16xf32, #tpu.memory_space<hbm>> -> memref<1x16xf32, #tpu.memory_space<hbm>>
      %dma_start3A_165 = tpu.memref_squeeze %dma_start3A_164 : memref<1x16xf32, #tpu.memory_space<hbm>> -> memref<16xf32, #tpu.memory_space<hbm>>
      %dma_start3A_166 = arith.constant 0 : i32
      %dma_start3A_167 = tpu.memref_slice %arg7[%add3A, %dma_start3A_166] : memref<32x16xf32, #tpu.memory_space<hbm>> -> memref<1x16xf32, #tpu.memory_space<hbm>>
      %dma_start3A_168 = tpu.memref_squeeze %dma_start3A_167 : memref<1x16xf32, #tpu.memory_space<hbm>> -> memref<16xf32, #tpu.memory_space<hbm>>
      tpu.enqueue_dma source(%arg15 : memref<16xf32, #tpu.memory_space<vmem>>) target(%dma_start3A_168 : memref<16xf32, #tpu.memory_space<hbm>>) target_semaphore(%run_scoped3A : memref<!tpu.dma_semaphore, #tpu.memory_space<semaphore_mem>>)
      %dma_wait3A_169 = arith.constant 0 : i32
      %dma_wait3A_170 = tpu.memref_slice %arg7[%add3A, %dma_wait3A_169] : memref<32x16xf32, #tpu.memory_space<hbm>> -> memref<1x16xf32, #tpu.memory_space<hbm>>
      %dma_wait3A_171 = tpu.memref_squeeze %dma_wait3A_170 : memref<1x16xf32, #tpu.memory_space<hbm>> -> memref<16xf32, #tpu.memory_space<hbm>>
      %dma_wait3A_172 = arith.constant 0 : i32
      %dma_wait3A_173 = tpu.memref_slice %arg7[%add3A, %dma_wait3A_172] : memref<32x16xf32, #tpu.memory_space<hbm>> -> memref<1x16xf32, #tpu.memory_space<hbm>>
      %dma_wait3A_174 = tpu.memref_squeeze %dma_wait3A_173 : memref<1x16xf32, #tpu.memory_space<hbm>> -> memref<16xf32, #tpu.memory_space<hbm>>
      tpu.wait_dma2 semaphore(%run_scoped3A : memref<!tpu.dma_semaphore, #tpu.memory_space<semaphore_mem>>) src(%arg15 : memref<16xf32, #tpu.memory_space<vmem>>) dst(%dma_wait3A_174 : memref<16xf32, #tpu.memory_space<hbm>>)
      tpu.yield
    }) : () -> ()
    return
  }
}

module attributes {stable_mosaic.version = 14 : i64} {
  func.func @_logz_body(%arg0: memref<1000x1000xf32, #tpu.memory_space<vmem>>, %arg1: memref<1000xf32, #tpu.memory_space<vmem>>) attributes {dimension_semantics = [], scalar_prefetch = 0 : i64, scratch_operands = 0 : i64, tpu.core_type = #tpu.core_type<tc>} {
    %get3A = arith.constant 0 : index
    %get3A_0 = arith.constant 0 : index
    %get3A_1 = vector.load %arg0[%get3A, %get3A_0] : memref<1000x1000xf32, #tpu.memory_space<vmem>>, vector<1000x1000xf32>
    %reduce_max3A = arith.constant dense<0xFF800000> : vector<1000xf32>
    %reduce_max3A_2 = vector.multi_reduction <maximumf>, %get3A_1, %reduce_max3A [1] : vector<1000x1000xf32> to vector<1000xf32>
    %broadcast_in_dim3A = vector.shape_cast %reduce_max3A_2 : vector<1000xf32> to vector<1000x1xf32>
    %sub3A = vector.broadcast %broadcast_in_dim3A : vector<1000x1xf32> to vector<1000x1000xf32>
    %sub3A_3 = arith.subf %get3A_1, %sub3A : vector<1000x1000xf32>
    %exp3A = math.exp %sub3A_3 : vector<1000x1000xf32>
    %reduce_sum3A = arith.constant dense<0.000000e+00> : vector<1000xf32>
    %reduce_sum3A_4 = vector.multi_reduction <add>, %exp3A, %reduce_sum3A [1] : vector<1000x1000xf32> to vector<1000xf32>
    %log3A = math.log %reduce_sum3A_4 : vector<1000xf32>
    %add3A = arith.addf %reduce_max3A_2, %log3A : vector<1000xf32>
    %swap3A = arith.constant 0 : index
    %swap3A_5 = vector.load %arg1[%swap3A] : memref<1000xf32, #tpu.memory_space<vmem>>, vector<1000xf32>
    tpu.vector_store %arg1[%swap3A], %add3A {strides = array<i32>} : memref<1000xf32, #tpu.memory_space<vmem>>, vector<1000xf32>,
    return
  }
}

module attributes {stable_mosaic.version = 14 : i64} {
  func.func @_loss_body(%arg0: memref<32x16xf32, #tpu.memory_space<vmem>>, %arg1: memref<1x1xf32, #tpu.memory_space<smem>>) attributes {dimension_semantics = [], scalar_prefetch = 0 : i64, scratch_operands = 0 : i64, tpu.core_type = #tpu.core_type<tc>} {
    %get3A = arith.constant 0 : index
    %get3A_0 = arith.constant 0 : index
    %get3A_1 = vector.load %arg0[%get3A, %get3A_0] : memref<32x16xf32, #tpu.memory_space<vmem>>, vector<32x16xf32>
    %reduce_sum3A = vector.shape_cast %get3A_1 : vector<32x16xf32> to vector<1x32x16xf32>
    %reduce_sum3A_2 = arith.constant dense<0.000000e+00> : vector<1xf32>
    %reduce_sum3A_3 = vector.multi_reduction <add>, %reduce_sum3A, %reduce_sum3A_2 [1, 2] : vector<1x32x16xf32> to vector<1xf32>
    %reduce_sum3A_4 = vector.shape_cast %reduce_sum3A_3 : vector<1xf32> to vector<1x1x1xf32>
    %reduce_sum3A_5 = vector.extract %reduce_sum3A_4[0, 0, 0] : f32 from vector<1x1x1xf32>
    %mul3A = arith.constant 6.10351563E-5 : f32
    %mul3A_6 = arith.mulf %reduce_sum3A_5, %mul3A : f32
    %swap3A = arith.constant 0 : index
    %swap3A_7 = arith.constant 0 : index
    %swap3A_8 = memref.load %arg1[%swap3A, %swap3A_7] : memref<1x1xf32, #tpu.memory_space<smem>>
    memref.store %mul3A_6, %arg1[%swap3A, %swap3A_7] : memref<1x1xf32, #tpu.memory_space<smem>>
    return
  }
}

</mosaic_0001>

<sc_bundles>
// kernel: kernel.5.cloned.1.call-start
scs
__scs_entry_jumppad:
0x0: {  	(pc) =	sbr.rel $0x88, $3  }
0x1: {  	(tag) =	ssettag $0x0;
	lr =	simm.s32 $0x1  }
0x2: {  	[smem:$0x3F9E] =	sst lr;
	_ =	strace $0xD0000000  }
0x3: {  	_ = 	snop  }
0x4: {  	_ = 	snop  }
0x5: {  	_ = 	snop  }
0x6: {  	_ = 	snop  }
0x7: {  	_ = 	snop  }
__scs_overlays_trampoline_lowered:
0x8: {  	[smem:$0x3FAD] =	sst s0  }
0x9: {  	[smem:$0x3FAE] =	sst s1  }
0xa: {  	[smem:$0x3FAF] =	sst s2  }
0xb: {  	[smem:$0x3FB0] =	sst s3  }
0xc: {  	[smem:$0x3FB1] =	sst s4  }
0xd: {  	[smem:$0x3FB2] =	sst s5  }
0xe: {  	[smem:$0x3FB3] =	sst s6  }
0xf: {  	[smem:$0x3FB4] =	sst s7  }
0x10: {  	[smem:$0x3FB5] =	sst s8  }
0x11: {  	[smem:$0x3FB6] =	sst s9;
	s0 =	simm.s32 @!p0 $0x0  }
0x12: {  	s1 =	sld [smem:$0x3F9C];
	s0 =	simm.s32 @p0 $0x1  }
0x13: {  	[smem:$0x3FB7] =	sst s0;
	s0 =	simm.s32 @!p1 $0x0  }
0x14: {  	s2 =	sld [smem:$0x3F9B];
	s0 =	simm.s32 @p1 $0x1  }
0x15: {  	[smem:$0x3FB8] =	sst s0;
	s0 =	simm.s32 @!p2 $0x0  }
0x16: {  	s3 =	sld [smem:$0x3FDB];
	s0 =	simm.s32 @p2 $0x1  }
0x17: {  	s4 =	simm.s32 $0x1BF5;
	[smem:$0x3FBA] =	sst s0  }
0x18: {  	s0 =	sld [smem:$0x3F9D];
	_ =	swait.ge [sflag:s4], $0x0  }
0x19: {  	s7 =	sld [smem:$0x3F9E]  }
0x1a: {  	s8 =	sadd.s32 $0xFFFFE003, lr  }
0x1b: {  	s9 =	sadd.s32 $0xFFFFFEF7, lr;
	s5 =	simm.s32 $0xFFFFFFFF;
	p2 =	slt.u32 s8, $0xFFFFF086  }
0x1c: {  	p1 =	slt.u32 s9, $0xF7A;
	s5 =	simm.s32 @!p2 $0x0  }
0x1d: {  	s5 =	simm.s32 @p1 $0x1;
	p0 =	seq.s32 s7, s2  }
0x1e: {  	s7 =	smul.u32 @!p0 $0xF7A, s2;
	p2 =	seq.s32 @!p0 s5, $0x0  }
0x1f: {  	s9 =	smul.u32 $0xF7A, s1;
	s8 =	simm.s32 @!p0 $0x1BF5;
	p2 =	por !p2, p0  }
0x20: {  	[sflag:s8] =	ssyncset.s32 @!p0 $0xFFFFF086;
	s6 =	sadd.s32 @!p0 s3, s7;
	s7 =	simm.s32 @!p0 $0x108  }
0x21: {  	s3 =	sadd.s32 s3, s9;
	s6 =	sadd.s32 @!p0 $0x88, s6;
	s7 =	simm.s32 @p2 $0x1082  }
0x22: {  	[simem:s7], [sflag:s8] =	dma.local @!p0 [hbm:s6], $0xF7A  }
0x23: {  	s9 =	sor.u32 $0xD0000000, s2;
	s6 =	simm.s32 $0x108;
	_ =	swait.ge @!p0 [sflag:s8], $0x0  }
0x24: {  	s3 =	sadd.s32 $0x88, s3;
	s6 =	simm.s32 @!p1 $0x1082;
	[sflag:s4] =	ssyncset.s32 $0xFFFFF086  }
0x25: {  	[simem:s6], [sflag:s4] =	dma.local [hbm:s3], $0xF7A  }
0x26: {  	[smem:$0x3F9E] =	sst s1;
	(tag) =	ssettag s2;
	_ =	strace s9  }
0x27: {  	s1 =	sld [smem:$0x3FAE]  }
0x28: {  	s2 =	sld [smem:$0x3FAF]  }
0x29: {  	s4 =	sld [smem:$0x3FB1]  }
0x2a: {  	p0 =	seq.s32 s5, $0x0;
	s5 =	sld [smem:$0x3FB2]  }
0x2b: {  	s6 =	sld [smem:$0x3FB3]  }
0x2c: {  	s7 =	sld [smem:$0x3FB4]  }
0x2d: {  	s3 =	simm.s32 $0x108;
	s8 =	sld [smem:$0x3FB5]  }
0x2e: {  	s3 =	simm.s32 @!p0 $0x1082;
	s9 =	sld [smem:$0x3FB6]  }
0x2f: {  	lr =	sadd.s32 s0, s3;
	s0 =	sld [smem:$0x3FAD]  }
0x30: {  	s3 =	sld [smem:$0x3FB0]  }
0x31: {  	[smem:$0x3FB9] =	sst s10  }
0x32: {  	s10 =	sld [smem:$0x3FB7];
	_ =	sdelay $0x3  }
0x33: {  	p0 =	seq.s32 s10, $0x1;
	s10 =	sld [smem:$0x3FB9];
	_ =	sdelay $0x3  }
0x34: {  	[smem:$0x3FB9] =	sst s10  }
0x35: {  	s10 =	sld [smem:$0x3FB8];
	_ =	sdelay $0x3  }
0x36: {  	p1 =	seq.s32 s10, $0x1;
	s10 =	sld [smem:$0x3FB9];
	_ =	sdelay $0x3  }
0x37: {  	[smem:$0x3FB9] =	sst s10  }
0x38: {  	s10 =	sld [smem:$0x3FBA]  }
0x39: {  	_ = 	snop;
	(pc) =	sbr.ind lr, $3  }
0x3a: {  	_ = 	snop  }
0x3b: {  	_ = 	snop  }
0x3c: {  	p2 =	seq.s32 s10, $0x1;
	s10 =	sld [smem:$0x3FB9]  }
0x3d: {  	_ =	shalt  }
0x3e: {  	_ =	shalt  }
0x3f: {  	_ =	shalt  }
0x40: {  	_ =	shalt  }
0x41: {  	_ =	shalt  }
0x42: {  	_ =	shalt  }
0x43: {  	_ =	shalt  }
0x44: {  	_ =	shalt  }
0x45: {  	_ =	shalt  }
0x46: {  	_ =	shalt  }
0x47: {  	_ =	shalt  }
0x48: {  	_ =	shalt  }
0x49: {  	_ =	shalt  }
0x4a: {  	_ =	shalt  }
0x4b: {  	_ =	shalt  }
0x4c: {  	_ =	shalt  }
0x4d: {  	_ =	shalt  }
0x4e: {  	_ =	shalt  }
0x4f: {  	_ =	shalt  }
0x50: {  	_ =	shalt  }
0x51: {  	_ =	shalt  }
0x52: {  	_ =	shalt  }
0x53: {  	_ =	shalt  }
0x54: {  	_ =	shalt  }
0x55: {  	_ =	shalt  }
0x56: {  	_ =	shalt  }
0x57: {  	_ =	shalt  }
0x58: {  	_ =	shalt  }
0x59: {  	_ =	shalt  }
0x5a: {  	_ =	shalt  }
0x5b: {  	_ =	shalt  }
0x5c: {  	_ =	shalt  }
0x5d: {  	_ =	shalt  }
0x5e: {  	_ =	shalt  }
0x5f: {  	_ =	shalt  }
0x60: {  	_ =	shalt  }
0x61: {  	_ =	shalt  }
0x62: {  	_ =	shalt  }
0x63: {  	_ =	shalt  }
0x64: {  	_ =	shalt  }
0x65: {  	_ =	shalt  }
0x66: {  	_ =	shalt  }
0x67: {  	_ =	shalt  }
0x68: {  	_ =	shalt  }
0x69: {  	_ =	shalt  }
0x6a: {  	_ =	shalt  }
0x6b: {  	_ =	shalt  }
0x6c: {  	_ =	shalt  }
0x6d: {  	_ =	shalt  }
0x6e: {  	_ =	shalt  }
0x6f: {  	_ =	shalt  }
0x70: {  	_ =	shalt  }
0x71: {  	_ =	shalt  }
0x72: {  	_ =	shalt  }
0x73: {  	_ =	shalt  }
0x74: {  	_ =	shalt  }
0x75: {  	_ =	shalt  }
0x76: {  	_ =	shalt  }
0x77: {  	_ =	shalt  }
0x78: {  	_ =	shalt  }
0x79: {  	_ =	shalt  }
0x7a: {  	_ =	shalt  }
0x7b: {  	_ =	shalt  }
0x7c: {  	_ =	shalt  }
0x7d: {  	_ =	shalt  }
0x7e: {  	_ =	shalt  }
0x7f: {  	_ =	shalt  }
0x80: {  	_ =	shalt  }
0x81: {  	_ =	shalt  }
0x82: {  	_ =	shalt  }
0x83: {  	_ =	shalt  }
0x84: {  	_ =	shalt  }
0x85: {  	_ =	shalt  }
0x86: {  	_ =	shalt  }
0x87: {  	_ =	shalt  }
.Lfunc_end0:
.L_simem_size_0:
called_computation_lowered:
.L_overlay_start_0:
0x88: {  	s2 =	sld [smem:$0x3FD9]  }
0x89: {  	s3 =	sld [smem:$0x3FFE];
	_ =	sdelay $0x1  }
0x8a: {  	s1 =	srdreg.scid  }
0x8b: {  	s0 =	sand.u32 $0x1, s1  }
0x8c: {  	s14 =	sshll.u32 s0, $0xA;
	s2 =	sadd.s32 s3, s2  }
0x8d: {  	s2 =	sadd.s32 s2, s14  }
0x8e: {  	[smem:$0x3FC5] =	sst s2  }
0x8f: {  	_ = 	snop  }
0x90: {  	s2 =	sld [smem:$0x3FD0];
	_ =	sdelay $0x2  }
0x91: {  	s15 =	simm.s32 $0xA;
	s4 =	simm.s32 $0x10  }
0x92: {  	[smem:s4], [sflag:s15] =	dma.local [hbm:s2], $0x1  }
0x93: {  	_ =	swait.eq [sflag:s15], $0x1  }
0x94: {  	[sflag:s15] =	ssyncset.done $0x0  }
0x95: {  	[sflag:s15] =	ssyncadd.s32 $0xFFFFFFFF  }
0x96: {  	s16 =	sld [smem:$0x10];
	(tm) =	ssettm $0x1  }
0x97: {  	s17 =	sld [smem:$0x3FFB];
	_ =	sdelay $0x3  }
0x98: {  	_ =	strace s17  }
0x99: {  	s3 =	sld [smem:$0x3FFC];
	_ =	sdelay $0x3  }
0x9a: {  	_ =	strace s3  }
0x9b: {  	s3 =	sld [smem:$0x3FFD];
	_ =	sdelay $0x3  }
0x9c: {  	_ =	strace s3  }
0x9d: {  	_ =	strace $0x8FFFFFFF  }
0x9e: {  	s18 =	sld [smem:$0x3FDB];
	_ =	sdelay $0x1  }
0x9f: {  	s19 =	simm.s32 $_scs_section_size  }
0xa0: {  	s5 =	simm.s32 $_size__tile_overlayer_lowered;
	s6 =	simm.s32 $_tile_overlayer_lowered  }
0xa1: {  	s22 =	simm.s32 $0x1BFF;
	s21 =	sshll.u32 s6, $0x1;
	s3 =	sadd.s32 s19, s18  }
0xa2: {  	s7 =	simm.s32 $0x0;
	s20 =	sshll.u32 s5, $0x1;
	s5 =	sadd.s32 s21, s3  }
0xa3: {  	[timem:s7], [sflag:s22] =	dma.local [hbm:s5], s20  }
0xa4: {  	_ =	swait.ge [sflag:s22], s20  }
0xa5: {  	s4 =	ssub.s32 $0x0, s20;
	[sflag:s22] =	ssyncset.done $0x0  }
0xa6: {  	[sflag:s22] =	ssyncadd.s32 s4;
	_ =	sdelay $0x1  }
0xa7: {  	s23 =	simm.s32 $0x1B8B  }
0xa8: {  	_ =	swait.ge [sflag:s23], $0x1  }
0xa9: {  	[sflag:s23] =	ssyncset.done $0x0  }
0xaa: {  	s25 =	simm.s32 $0x1B8E;
	s24 =	sld [smem:$0x3FFE];
	[sflag:s23] =	ssyncadd.s32 $0xFFFFFFFF  }
0xab: {  	s26 =	simm.s32 $execute0_lowered;
	[smem:$0x3FD2] =	sst s25  }
0xac: {  	s5 =	sshll.u32 s26, $0x1;
	_ =	strace $0x80000046;
	[dreg:$0x1] =	wrdreg $0xFFFFFFFF  }
0xad: {  	s28 =	simm.s32 $_size_execute0_lowered;
	s3 =	sadd.s32 s3, s5;
	[dreg:$0x0] =	wrdreg $0x0  }
0xae: {  	s5 =	sshll.u32 s28, $0x1;
	[dreg:$0x2] =	wrdreg s3  }
0xaf: {  	[dreg:$0x3] =	wrdreg s5  }
0xb0: {  	[dreg:$0x4] =	wrdreg $0xC0  }
0xb1: {  	_ =	task [dreg:s7], $0x5FFFF  }
0xb2: {  	[dreg:$0x1] =	wrdreg $0xFFFFFFFF  }
0xb3: {  	[dreg:$0x0] =	wrdreg $0x60  }
0xb4: {  	[dreg:$0x2] =	wrdreg s24  }
0xb5: {  	[dreg:$0x3] =	wrdreg s16  }
0xb6: {  	[dreg:$0x4] =	wrdreg $0x9  }
0xb7: {  	_ =	task.clear_ibuf [dreg:s7], $0x5FFFF;
	_ =	strace $0x90000046  }
0xb8: {  	s29 =	simm.s32 $0x9;
	_ =	strace $0x80000048  }
0xb9: {  	_ =	swait.ge [sflag:s29], $0x1  }
0xba: {  	[sflag:s29] =	ssyncadd.s32 $0xFFFFFFFF  }
0xbb: {  	_ =	strace $0x90000048  }
0xbc: {  	_ =	sfence  }
0xbd: {  	s30 =	sld [smem:$0x0];
	_ =	sdelay $0x2  }
0xbe: {  	s31 =	sshll.u32 s1, $0xD;
	s1 =	sshrl.u32 s1, $0x2  }
0xbf: {  	s3 =	sand.u32 $0x4000, s31;
	s1 =	sadd.s32 s1, s30  }
0xc0: {  	s0 =	sor.u32 s3, s0;
	s1 =	sshll.u32 s1, $0x11  }
0xc1: {  	s0 =	sor.u32 s1, s0  }
0xc2: {  	s0 =	sadd.s32 $0x8F2B, s0  }
0xc3: {  	[sflag:s0] =	ssyncadd.remote.s32 $0x1  }
0xc4: {  	_ =	sfence.sel $0xFFFF  }
0xc5: {  	[dreg:$0x0] =	wrdreg $0xFFFFFFFF;
	(pc) =	sbr.abs _section_cstart, $3  }
0xc6: {  	[dreg:$0x1] =	wrdreg $0xFFFFFFFF  }
0xc7: {  	_ =	task.clear_ibuf [dreg:s7], $0x2FFFF;
	_ =	strace $0x9FFFFFFF  }
0xc8: {  	(tm) =	ssettm $0x7FFFFFFF  }
0xc9: {  	_ =	shalt  }
tec
execute0_lowered:
.L_overlay_start_1:
0x0: {  	(tag) =	ssettag $0x1  }
0x1: {  	s0 =	rddreg [dreg:$0x0]  }
0x2: {  	s2 =	rddreg [dreg:$0x1];
	s3 =	simm.s32 $0x0;
	s1 =	srdreg.scid  }
0x3: {  	s4 =	stileid.u32;
	s11 =	simm.s32 $0x5;
	s13 =	simm.s32 $0x400  }
0x4: {  	s14 =	simm.s32 $0x10;
	s15 =	simm.s32 $0x7E8;
	s16 =	simm.s32 $0x4668  }
0x5: {  	s17 =	simm.s32 $0x1;
	s18 =	simm.s32 $0x80;
	s19 =	simm.s32 $0x2  }
0x6: {  	v0 =	vlaneseq.u32;
	s20 =	simm.s32 $0x3;
	s21 =	simm.s32 $0x4;
	s23 =	simm.s32 $0x0  }
0x7: {  	v1 =	vimm.s32 $0x0;
	vm0 =	vcmask $0x300;
	[smem:$0x7FF] =	sst s3;
	s1 =	sand.u32 $0x1, s1;
	s4 =	sshll.u32 s4, $0x1;
	v0 =	vmul.u32 $0x3E8, v0  }
0x8: {  	s9 =	sadd.s32 $0x1000, s0;
	v1 =	vsel vm0, $0x3, v1;
	_ =	strace $0x80000047;
	s5 =	sor.u32 s1, s4  }
0x9: {  	s4 =	sadd.s32 $0x1200, s0;
	s1 =	ssub.s32 $0x2, s1;
	[dreg:$0x3] =	wrdreg s9;
	v2 =	vor.u32 $0x1, v0;
	v3 =	vor.u32 $0x2, v0;
	v4 =	vor.u32 $0x3, v0  }
0xa: {  	s6 =	sshll.u32 s5, $0x6;
	s30 =	sshll.u32 s5, $0x1;
	s8 =	sshrl.u32 s1, $0x1;
	v5 =	vor.u32 $0x4, v0;
	v6 =	vor.u32 $0x5, v0;
	v7 =	vor.u32 $0x6, v0  }
0xb: {  	v8 =	vor.u32 $0x7, v0;
	v9 =	vadd.s32 $0x3E0, v0;
	v10 =	vadd.s32 $0x3E1, v0;
	s7 =	sadd.s32 s6, s0;
	s0 =	sadd.s32 s30, s0;
	s1 =	ssub.s32 s1, s8  }
0xc: {  	v11 =	vadd.s32 $0x3E2, v0;
	v12 =	vadd.s32 $0x3E3, v0;
	v13 =	vadd.s32 $0x3E4, v0;
	s8 =	sshll.u32 s5, $0xC;
	s31 =	sadd.s32 $0x1FC00, s7;
	s7 =	sadd.s32 $0x20400, s7  }
0xd: {  	v14 =	vadd.s32 $0x3E5, v0;
	v15 =	vadd.s32 $0x3E6, v0;
	v16 =	vadd.s32 $0x3E7, v0;
	s9 =	sadd.s32 $0x20C00, s0;
	s10 =	smax.u32 s1, $0x1;
	[dreg:$0x4] =	wrdreg s31  }
.LBB2_1:
0xe: {  	s0 =	rddreg [dreg:$0x4]  }
0xf: {  	[tilespmem:s3], [sflag:$0x5] =	stream.linear.gather [hbm4b:s0+s3], $0x200, $0x38;
	[tilespmem:$0x101F8] =	vst v63  }
0x10: {  	_ =	swait.ge [sflag:s11], $0x200  }
0x11: {  	[sflag:s11] =	ssyncset.done $0x0  }
0x12: {  	s30 =	simm.s32 $0x200;
	[sflag:s11] =	ssyncadd.s32 $0xFFFFFE00  }
0x13: {  	[tilespmem:s30], [sflag:$0x5] =	stream.linear.gather [hbm4b:s7+s3], $0x200, $0x38;
	[tilespmem:$0x101F8] =	vst v63  }
0x14: {  	_ =	swait.ge [sflag:s11], $0x200  }
0x15: {  	[sflag:s11] =	ssyncset.done $0x0  }
0x16: {  	s31 =	rddreg [dreg:$0x3];
	[sflag:s11] =	ssyncadd.s32 $0xFFFFFE00  }
0x17: {  	[tilespmem:s13], [sflag:$0x5] =	stream.linear.gather [hbm4b:s31+s3], $0x3E8, $0x38;
	[tilespmem:$0x101F8] =	vst v63  }
0x18: {  	_ =	swait.ge [sflag:s11], $0x3E8  }
0x19: {  	[sflag:s11] =	ssyncset.done $0x0  }
0x1a: {  	[sflag:s11] =	ssyncadd.s32 $0xFFFFFC18  }
0x1b: {  	v17 =	vld [tilespmem:$0x0];
	_ =	sdelay $0x1  }
0x1c: {  	v18 =	vld [tilespmem:$0x10];
	_ =	sdelay $0x1  }
0x1d: {  	v19 =	vld [tilespmem:$0x20];
	_ =	sdelay $0x1  }
0x1e: {  	v20 =	vld [tilespmem:$0x30]  }
0x1f: {  	v21 =	vld [tilespmem:$0x40]  }
0x20: {  	v17 =	vld.idx.msk [tilespmem:v17+s13+$0x0], $0xffff  }
0x21: {  	v22 =	vld [tilespmem:$0x50]  }
0x22: {  	v18 =	vld.idx.msk [tilespmem:v18+s13+$0x0], $0xffff  }
0x23: {  	v23 =	vld [tilespmem:$0x60]  }
0x24: {  	v19 =	vld.idx.msk [tilespmem:v19+s13+$0x0], $0xffff  }
0x25: {  	v24 =	vld [tilespmem:$0x70];
	v17 =	vadd.f32 $0.0e+00, v17  }
0x26: {  	v20 =	vld.idx.msk [tilespmem:v20+s13+$0x0], $0xffff  }
0x27: {  	v21 =	vld.idx.msk [tilespmem:v21+s13+$0x0], $0xffff;
	v17 =	vadd.f32 v18, v17  }
0x28: {  	v18 =	vld [tilespmem:$0x80]  }
0x29: {  	v22 =	vld.idx.msk [tilespmem:v22+s13+$0x0], $0xffff;
	v17 =	vadd.f32 v19, v17  }
0x2a: {  	v19 =	vld [tilespmem:$0x90]  }
0x2b: {  	v44 =	vld [tilespmem:$0xA0];
	v17 =	vadd.f32 v20, v17  }
0x2c: {  	v23 =	vld.idx.msk [tilespmem:v23+s13+$0x0], $0xffff  }
0x2d: {  	v45 =	vld [tilespmem:$0xB0];
	v17 =	vadd.f32 v21, v17  }
0x2e: {  	v24 =	vld.idx.msk [tilespmem:v24+s13+$0x0], $0xffff  }
0x2f: {  	v46 =	vld [tilespmem:$0xC0];
	v17 =	vadd.f32 v22, v17  }
0x30: {  	v18 =	vld.idx.msk [tilespmem:v18+s13+$0x0], $0xffff  }
0x31: {  	v47 =	vld [tilespmem:$0xD0];
	v17 =	vadd.f32 v23, v17  }
0x32: {  	v19 =	vld.idx.msk [tilespmem:v19+s13+$0x0], $0xffff  }
0x33: {  	v48 =	vld [tilespmem:$0xE0];
	v17 =	vadd.f32 v24, v17  }
0x34: {  	v20 =	vld.idx.msk [tilespmem:v44+s13+$0x0], $0xffff  }
0x35: {  	v49 =	vld [tilespmem:$0xF0];
	v17 =	vadd.f32 v18, v17  }
0x36: {  	v18 =	vld.idx.msk [tilespmem:v45+s13+$0x0], $0xffff  }
0x37: {  	v22 =	vld.idx.msk [tilespmem:v46+s13+$0x0], $0xffff;
	v17 =	vadd.f32 v19, v17  }
0x38: {  	v19 =	vld [tilespmem:$0x100]  }
0x39: {  	v50 =	vld [tilespmem:$0x110];
	v17 =	vadd.f32 v20, v17  }
0x3a: {  	v23 =	vld.idx.msk [tilespmem:v47+s13+$0x0], $0xffff  }
0x3b: {  	v24 =	vld.idx.msk [tilespmem:v48+s13+$0x0], $0xffff;
	v17 =	vadd.f32 v18, v17  }
0x3c: {  	v18 =	vld [tilespmem:$0x120]  }
0x3d: {  	v51 =	vld [tilespmem:$0x130];
	v17 =	vadd.f32 v22, v17  }
0x3e: {  	v21 =	vld.idx.msk [tilespmem:v49+s13+$0x0], $0xffff  }
0x3f: {  	v52 =	vld [tilespmem:$0x140];
	v17 =	vadd.f32 v23, v17  }
0x40: {  	v19 =	vld.idx.msk [tilespmem:v19+s13+$0x0], $0xffff  }
0x41: {  	v53 =	vld [tilespmem:$0x150];
	v17 =	vadd.f32 v24, v17  }
0x42: {  	v20 =	vld.idx.msk [tilespmem:v50+s13+$0x0], $0xffff  }
0x43: {  	v54 =	vld [tilespmem:$0x160];
	v17 =	vadd.f32 v21, v17  }
0x44: {  	v18 =	vld.idx.msk [tilespmem:v18+s13+$0x0], $0xffff  }
0x45: {  	v55 =	vld [tilespmem:$0x170];
	v17 =	vadd.f32 v19, v17  }
0x46: {  	v19 =	vld.idx.msk [tilespmem:v51+s13+$0x0], $0xffff  }
0x47: {  	v56 =	vld [tilespmem:$0x180];
	v17 =	vadd.f32 v20, v17  }
0x48: {  	v23 =	vld.idx.msk [tilespmem:v52+s13+$0x0], $0xffff  }
0x49: {  	v24 =	vld.idx.msk [tilespmem:v53+s13+$0x0], $0xffff;
	v17 =	vadd.f32 v18, v17  }
0x4a: {  	v18 =	vld [tilespmem:$0x190]  }
0x4b: {  	v21 =	vld.idx.msk [tilespmem:v54+s13+$0x0], $0xffff;
	v17 =	vadd.f32 v19, v17  }
0x4c: {  	v19 =	vld [tilespmem:$0x1A0]  }
0x4d: {  	v57 =	vld [tilespmem:$0x1B0];
	v17 =	vadd.f32 v23, v17  }
0x4e: {  	v22 =	vld.idx.msk [tilespmem:v55+s13+$0x0], $0xffff  }
0x4f: {  	v58 =	vld [tilespmem:$0x1C0];
	v17 =	vadd.f32 v24, v17  }
0x50: {  	v20 =	vld.idx.msk [tilespmem:v56+s13+$0x0], $0xffff  }
0x51: {  	v59 =	vld [tilespmem:$0x1D0];
	v17 =	vadd.f32 v21, v17  }
0x52: {  	v18 =	vld.idx.msk [tilespmem:v18+s13+$0x0], $0xffff  }
0x53: {  	v60 =	vld [tilespmem:$0x1E0];
	v17 =	vadd.f32 v22, v17  }
0x54: {  	v19 =	vld.idx.msk [tilespmem:v19+s13+$0x0], $0xffff  }
0x55: {  	v62 =	vld [tilespmem:$0x1F0];
	v17 =	vadd.f32 v20, v17  }
0x56: {  	v61 =	vld.idx.msk [tilespmem:v57+s13+$0x0], $0xffff  }
0x57: {  	v17 =	vadd.f32 v18, v17  }
0x58: {  	v18 =	vld.idx.msk [tilespmem:v58+s13+$0x0], $0xffff  }
0x59: {  	v17 =	vadd.f32 v19, v17  }
0x5a: {  	v19 =	vld.idx.msk [tilespmem:v59+s13+$0x0], $0xffff  }
0x5b: {  	v17 =	vadd.f32 v61, v17  }
0x5c: {  	v63 =	vld.idx.msk [tilespmem:v60+s13+$0x0], $0xffff  }
0x5d: {  	v17 =	vadd.f32 v18, v17  }
0x5e: {  	v18 =	vld.idx.msk [tilespmem:v62+s13+$0x0], $0xffff  }
0x5f: {  	v17 =	vadd.f32 v19, v17;
	_ =	sdelay $0x1  }
0x60: {  	v17 =	vadd.f32 v63, v17  }
0x61: {  	s24 =	simm.s32 $0x0  }
0x62: {  	[tilespmem:s15], [sflag:$0x1] =	stream.indirect.gather [hbm4b:s4+s14], $0x3E8, s3, s14, $0xb8;
	v17 =	vadd.f32 v18, v17;
	[tilespmem:$0x101F8] =	vst v63  }
.LBB2_2:
0x63: {  	s0 =	simm.s32 $0x8  }
0x64: {  	v18 =	vmov s0  }
0x65: {  	s0 =	sshll.u32 s24, $0x5;
	v18 =	vshrl.u32 v18, $0x3  }
0x66: {  	s25 =	sor.u32 $0x10, s0;
	v18 =	vshll.u32 v18, v1  }
0x67: {  	[tilespmem:s16], [sflag:$0x2] =	stream.indirect.gather [hbm4b:s4+s14], $0x3E8, s25, s14, $0xb8;
	v22 =	vbroadcast v18, $0x0;
	[tilespmem:$0x101F8] =	vst v63  }
0x68: {  	_ =	swait.ge [sflag:s17], $0x3E80  }
0x69: {  	p0 =	seq.s32 s24, $0x0;
	[sflag:s17] =	ssyncset.done $0x0;
	v18 =	vadd.s32 v0, v22  }
0x6a: {  	s1 =	simm.s32 @!p0 $0x3;
	[sflag:s17] =	ssyncadd.s32 $0xFFFFC180  }
0x6b: {  	_ =	swait.ge @!p0 [sflag:s1], $0x3E80  }
0x6c: {  	[sflag:s1] =	ssyncset.done @!p0 $0x0  }
0x6d: {  	[sflag:s1] =	ssyncadd.s32 @!p0 $0xFFFFC180  }
0x6e: {  	s22 =	simm.s32 $0x0;
	v18 =	vld.idx.msk [tilespmem:v18+s15+$0x0], $0xffff  }
0x6f: {  	v19 =	vmov s22;
	v20 =	vadd.s32 v2, v22  }
0x70: {  	v19 =	vshrl.u32 v19, $0x3  }
0x71: {  	s26 =	simm.s32 $0x18;
	v19 =	vshll.u32 v19, v1  }
0x72: {  	s30 =	simm.s32 $0x8568;
	v25 =	vbroadcast v19, $0x0;
	v19 =	vmov s26  }
0x73: {  	[tilespmem:s30+$0x0] =	vst v18;
	v18 =	vshrl.u32 v19, $0x3  }
0x74: {  	v19 =	vadd.s32 v0, v25;
	v20 =	vld.idx.msk [tilespmem:v20+s15+$0x0], $0xffff;
	v18 =	vshll.u32 v18, v1  }
0x75: {  	v24 =	vbroadcast v18, $0x0;
	v18 =	vadd.s32 v3, v22;
	_ =	sdelay $0x1  }
0x76: {  	v21 =	vadd.s32 v0, v24;
	_ =	sdelay $0x1  }
0x77: {  	v19 =	vld.idx.msk [tilespmem:v19+s15+$0x0], $0xffff;
	[tilespmem:s30+$0x10] =	vst v20  }
0x78: {  	v20 =	vadd.s32 v2, v25;
	v18 =	vld.idx.msk [tilespmem:v18+s15+$0x0], $0xffff  }
0x79: {  	s5 =	simm.s32 $0x10  }
0x7a: {  	v26 =	vmov s5;
	v23 =	vadd.s32 v4, v22;
	v21 =	vld.idx.msk [tilespmem:v21+s15+$0x0], $0xffff  }
0x7b: {  	v26 =	vshrl.u32 v26, $0x3;
	v27 =	vadd.s32 v2, v24  }
0x7c: {  	s6 =	simm.s32 $0x28;
	[tilespmem:s30+$0xFFFFFF80] =	vst v19;
	v19 =	vshll.u32 v26, v1  }
0x7d: {  	v20 =	vld.idx.msk [tilespmem:v20+s15+$0x0], $0xffff;
	v19 =	vbroadcast v19, $0x0;
	[tilespmem:s30+$0x20] =	vst v18;
	v18 =	vmov s6  }
0x7e: {  	s28 =	simm.s32 $0x8668;
	v26 =	vadd.s32 v3, v25;
	v18 =	vshrl.u32 v18, $0x3  }
0x7f: {  	v23 =	vld.idx.msk [tilespmem:v23+s15+$0x0], $0xffff;
	v28 =	vadd.s32 v0, v19;
	[tilespmem:s28+$0x0] =	vst v21;
	v18 =	vshll.u32 v18, v1  }
0x80: {  	v21 =	vadd.s32 v5, v22;
	v27 =	vld.idx.msk [tilespmem:v27+s15+$0x0], $0xffff;
	v18 =	vbroadcast v18, $0x0  }
0x81: {  	v29 =	vadd.s32 v3, v24  }
0x82: {  	s12 =	simm.s32 $0x20;
	[tilespmem:s30+$0xFFFFFF90] =	vst v20;
	v30 =	vadd.s32 v0, v18  }
0x83: {  	v20 =	vmov s12;
	v26 =	vld.idx.msk [tilespmem:v26+s15+$0x0], $0xffff  }
0x84: {  	v20 =	vshrl.u32 v20, $0x3;
	[tilespmem:s30+$0x30] =	vst v23;
	v23 =	vadd.s32 v4, v25;
	v28 =	vld.idx.msk [tilespmem:v28+s15+$0x0], $0xffff  }
0x85: {  	v31 =	vadd.s32 v2, v19;
	v20 =	vshll.u32 v20, v1;
	v21 =	vld.idx.msk [tilespmem:v21+s15+$0x0], $0xffff;
	[tilespmem:s28+$0x10] =	vst v27  }
0x86: {  	v20 =	vbroadcast v20, $0x0;
	v27 =	vadd.s32 v6, v22;
	v29 =	vld.idx.msk [tilespmem:v29+s15+$0x0], $0xffff  }
0x87: {  	v32 =	vadd.s32 v4, v24;
	v30 =	vld.idx.msk [tilespmem:v30+s15+$0x0], $0xffff  }
0x88: {  	[tilespmem:s30+$0xFFFFFFA0] =	vst v26;
	v26 =	vadd.s32 v0, v20  }
0x89: {  	v33 =	vadd.s32 v2, v18;
	v23 =	vld.idx.msk [tilespmem:v23+s15+$0x0], $0xffff;
	[tilespmem:s28+$0xFFFFFF80] =	vst v28  }
0x8a: {  	s22 =	simm.s32 $0x38;
	v34 =	vadd.s32 v5, v25;
	[tilespmem:s30+$0x40] =	vst v21;
	v28 =	vld.idx.msk [tilespmem:v31+s15+$0x0], $0xffff  }
0x8b: {  	s29 =	simm.s32 $0x8768;
	v21 =	vmov s22;
	v31 =	vadd.s32 v3, v19;
	v27 =	vld.idx.msk [tilespmem:v27+s15+$0x0], $0xffff;
	[tilespmem:s28+$0x20] =	vst v29  }
0x8c: {  	v21 =	vshrl.u32 v21, $0x3;
	v29 =	vadd.s32 v7, v22;
	[tilespmem:s29+$0x0] =	vst v30;
	v30 =	vld.idx.msk [tilespmem:v32+s15+$0x0], $0xffff  }
0x8d: {  	v49 =	vadd.s32 v5, v24;
	v21 =	vshll.u32 v21, v1;
	v26 =	vld.idx.msk [tilespmem:v26+s15+$0x0], $0xffff  }
0x8e: {  	v36 =	vadd.s32 v2, v20;
	v21 =	vbroadcast v21, $0x0;
	v48 =	vld.idx.msk [tilespmem:v33+s15+$0x0], $0xffff;
	[tilespmem:s30+$0xFFFFFFB0] =	vst v23  }
0x8f: {  	v35 =	vadd.s32 v3, v18;
	v23 =	vld.idx.msk [tilespmem:v34+s15+$0x0], $0xffff;
	[tilespmem:s28+$0xFFFFFF90] =	vst v28  }
0x90: {  	[tilespmem:s30+$0x50] =	vst v27;
	v27 =	vadd.s32 v0, v21;
	v31 =	vld.idx.msk [tilespmem:v31+s15+$0x0], $0xffff  }
0x91: {  	v28 =	vld.idx.msk [tilespmem:v29+s15+$0x0], $0xffff;
	v29 =	vadd.s32 v6, v25;
	[tilespmem:s28+$0x30] =	vst v30  }
0x92: {  	s26 =	simm.s32 $0x30;
	v51 =	vadd.s32 v4, v19;
	[tilespmem:s29+$0xFFFFFF80] =	vst v26;
	v50 =	vld.idx.msk [tilespmem:v49+s15+$0x0], $0xffff  }
0x93: {  	v30 =	vadd.s32 v8, v22;
	v22 =	vmov s26;
	[tilespmem:s29+$0x10] =	vst v48;
	v57 =	vld.idx.msk [tilespmem:v36+s15+$0x0], $0xffff  }
0x94: {  	v53 =	vadd.s32 v6, v24;
	v22 =	vshrl.u32 v22, $0x3;
	v52 =	vld.idx.msk [tilespmem:v35+s15+$0x0], $0xffff;
	[tilespmem:s30+$0xFFFFFFC0] =	vst v23  }
0x95: {  	v22 =	vshll.u32 v22, v1;
	v23 =	vadd.s32 v4, v18;
	v27 =	vld.idx.msk [tilespmem:v27+s15+$0x0], $0xffff;
	[tilespmem:s28+$0xFFFFFFA0] =	vst v31  }
0x96: {  	v22 =	vbroadcast v22, $0x0;
	v29 =	vld.idx.msk [tilespmem:v29+s15+$0x0], $0xffff;
	[tilespmem:s30+$0x60] =	vst v28;
	v28 =	vadd.s32 v2, v21  }
0x97: {  	v54 =	vadd.s32 v7, v25;
	v31 =	vld.idx.msk [tilespmem:v51+s15+$0x0], $0xffff;
	[tilespmem:s28+$0x40] =	vst v50  }
0x98: {  	v30 =	vld.idx.msk [tilespmem:v30+s15+$0x0], $0xffff;
	v55 =	vadd.s32 v0, v22;
	[tilespmem:s29+$0xFFFFFF90] =	vst v57  }
0x99: {  	v56 =	vadd.s32 v5, v19;
	s12 =	simm.s32 $0x8868;
	v26 =	vld.idx.msk [tilespmem:v53+s15+$0x0], $0xffff;
	[tilespmem:s29+$0x20] =	vst v52  }
0x9a: {  	s5 =	simm.s32 $0x48;
	v59 =	vadd.s32 v3, v20;
	[tilespmem:s12+$0x0] =	vst v27;
	v27 =	vld.idx.msk [tilespmem:v23+s15+$0x0], $0xffff  }
0x9b: {  	v58 =	vmov s5;
	v37 =	vadd.s32 v7, v24;
	v28 =	vld.idx.msk [tilespmem:v28+s15+$0x0], $0xffff;
	[tilespmem:s30+$0xFFFFFFD0] =	vst v29  }
0x9c: {  	v23 =	vshrl.u32 v58, $0x3;
	v29 =	vadd.s32 v5, v18;
	[tilespmem:s28+$0xFFFFFFB0] =	vst v31;
	v32 =	vld.idx.msk [tilespmem:v54+s15+$0x0], $0xffff  }
0x9d: {  	v60 =	vadd.s32 v3, v21;
	v23 =	vshll.u32 v23, v1;
	[tilespmem:s30+$0x70] =	vst v30;
	v30 =	vld.idx.msk [tilespmem:v55+s15+$0x0], $0xffff  }
0x9e: {  	v25 =	vadd.s32 v8, v25;
	v23 =	vbroadcast v23, $0x0;
	v31 =	vld.idx.msk [tilespmem:v56+s15+$0x0], $0xffff;
	[tilespmem:s28+$0x50] =	vst v26  }
0x9f: {  	v63 =	vadd.s32 v6, v19;
	v62 =	vld.idx.msk [tilespmem:v59+s15+$0x0], $0xffff;
	[tilespmem:s29+$0x30] =	vst v27  }
0xa0: {  	v26 =	vadd.s32 v0, v23;
	v61 =	vld.idx.msk [tilespmem:v37+s15+$0x0], $0xffff;
	[tilespmem:s12+$0x10] =	vst v28  }
0xa1: {  	v39 =	vld.idx.msk [tilespmem:v29+s15+$0x0], $0xffff;
	v29 =	vadd.s32 v8, v24;
	[tilespmem:s30+$0xFFFFFFE0] =	vst v32  }
0xa2: {  	s6 =	simm.s32 $0x40;
	v41 =	vadd.s32 v4, v20;
	v40 =	vld.idx.msk [tilespmem:v60+s15+$0x0], $0xffff;
	[tilespmem:s12+$0xFFFFFF80] =	vst v30  }
0xa3: {  	v27 =	vmov s6;
	v30 =	vadd.s32 v6, v18;
	[tilespmem:s28+$0xFFFFFFC0] =	vst v31;
	v33 =	vld.idx.msk [tilespmem:v25+s15+$0x0], $0xffff  }
0xa4: {  	v38 =	vadd.s32 v2, v22;
	v24 =	vshrl.u32 v27, $0x3;
	v31 =	vld.idx.msk [tilespmem:v63+s15+$0x0], $0xffff  }
0xa5: {  	v35 =	vadd.s32 v4, v21;
	v24 =	vshll.u32 v24, v1;
	v36 =	vld.idx.msk [tilespmem:v26+s15+$0x0], $0xffff;
	[tilespmem:s28+$0x60] =	vst v61  }
0xa6: {  	s31 =	sshrl.u32 s24, $0x2;
	v34 =	vadd.s32 v7, v19;
	[tilespmem:s29+$0xFFFFFFA0] =	vst v62;
	v37 =	vadd.s32 v2, v23;
	v24 =	vbroadcast v24, $0x0;
	v32 =	vld.idx.msk [tilespmem:v29+s15+$0x0], $0xffff  }
0xa7: {  	s5 =	simm.s32 $0x50;
	s1 =	simm.s32 $0x8868;
	s22 =	sshll.u32 s31, $0x7;
	v27 =	vadd.s32 v5, v20;
	v26 =	vadd.s32 v5, v22;
	v29 =	vld.idx.msk [tilespmem:v41+s15+$0x0], $0xffff;
	[tilespmem:s29+$0x40] =	vst v39  }
0xa8: {  	s0 =	ssub.s32 s0, s22;
	s26 =	ssub.s32 $0x0, s22;
	s22 =	simm.s32 $0x8;
	v28 =	vadd.s32 v0, v24;
	v25 =	vadd.s32 v5, v24;
	[tilespmem:s12+$0x20] =	vst v40;
	v30 =	vld.idx.msk [tilespmem:v30+s15+$0x0], $0xffff  }
.LBB2_3:
0xa9: {  	v39 =	vmov s5;
	s6 =	sadd.s32 $0x8, s5;
	s22 =	sadd.s32 $0x2, s22;
	v38 =	vld.idx.msk [tilespmem:v38+s15+$0x0], $0xffff;
	s12 =	sadd.s32 $0x100, s12;
	[tilespmem:s30+$0xFFFFFFF0] =	vst v33  }
0xaa: {  	s30 =	smov.u32 s28;
	s28 =	smov.u32 s29;
	v33 =	vshrl.u32 v39, $0x3;
	v39 =	vmov s6;
	p1 =	slt.u32 s22, $0x7A;
	[tilespmem:s12+$0x0] =	vst v36;
	v35 =	vld.idx.msk [tilespmem:v35+s15+$0x0], $0xffff;
	v36 =	vadd.s32 v7, v18  }
0xab: {  	v40 =	vadd.s32 v3, v22;
	s29 =	smov.u32 s1;
	s1 =	smov.u32 s12;
	v33 =	vshll.u32 v33, v1;
	v39 =	vshrl.u32 v39, $0x3;
	v37 =	vld.idx.msk [tilespmem:v37+s15+$0x0], $0xffff;
	[tilespmem:s30+$0xFFFFFFD0] =	vst v31  }
0xac: {  	v31 =	vbroadcast v33, $0x0;
	v33 =	vshll.u32 v39, v1;
	v39 =	vadd.s32 v5, v21;
	v34 =	vld.idx.msk [tilespmem:v34+s15+$0x0], $0xffff;
	[tilespmem:s30+$0x70] =	vst v32  }
0xad: {  	v41 =	vadd.s32 v3, v23;
	v32 =	vbroadcast v33, $0x0;
	v33 =	vld.idx.msk [tilespmem:v28+s15+$0x0], $0xffff;
	[tilespmem:s28+$0xFFFFFFB0] =	vst v29;
	v29 =	vadd.s32 v8, v19  }
0xae: {  	v19 =	vmov v20;
	v28 =	vadd.s32 v0, v31;
	v42 =	vadd.s32 v5, v31;
	v43 =	vld.idx.msk [tilespmem:v27+s15+$0x0], $0xffff;
	[tilespmem:s28+$0x50] =	vst v30  }
0xaf: {  	v20 =	vmovc v22;
	v22 =	vmov v24;
	v24 =	vmov v31;
	v30 =	vadd.s32 v0, v32;
	[tilespmem:s29+$0xFFFFFF90] =	vst v38;
	v44 =	vld.idx.msk [tilespmem:v36+s15+$0x0], $0xffff  }
0xb0: {  	v31 =	vadd.s32 v6, v19;
	v27 =	vmovc v26;
	v26 =	vmov v25;
	v25 =	vmov v42;
	v40 =	vld.idx.msk [tilespmem:v40+s15+$0x0], $0xffff;
	[tilespmem:s29+$0x30] =	vst v35  }
0xb1: {  	v42 =	vadd.s32 v8, v18;
	v18 =	vmovc v21;
	v21 =	vmov v23;
	v23 =	vmov v32;
	[tilespmem:s12+$0x10] =	vst v37;
	v39 =	vld.idx.msk [tilespmem:v39+s15+$0x0], $0xffff  }
0xb2: {  	v45 =	vadd.s32 v4, v20;
	v41 =	vld.idx.msk [tilespmem:v41+s15+$0x0], $0xffff;
	[tilespmem:s30+$0xFFFFFFE0] =	vst v34  }
0xb3: {  	v46 =	vadd.s32 v6, v18;
	[tilespmem:s12+$0xFFFFFF80] =	vst v33;
	v33 =	vld.idx.msk [tilespmem:v29+s15+$0x0], $0xffff  }
.Ltmp0:
0xb4: {  	v38 =	vadd.s32 v2, v22;
	v36 =	vld.idx.msk [tilespmem:v30+s15+$0x0], $0xffff;
	[tilespmem:s28+$0xFFFFFFC0] =	vst v43;
	(pc) =	sbr.rel @p1 .LBB2_3-.Ltmp0, $4  }
0xb5: {  	v35 =	vadd.s32 v4, v21;
	v31 =	vld.idx.msk [tilespmem:v31+s15+$0x0], $0xffff;
	[tilespmem:s28+$0x60] =	vst v44  }
0xb6: {  	v37 =	vadd.s32 v2, v23;
	[tilespmem:s29+$0xFFFFFFA0] =	vst v40;
	v32 =	vld.idx.msk [tilespmem:v42+s15+$0x0], $0xffff  }
0xb7: {  	v34 =	vadd.s32 v7, v19;
	v29 =	vld.idx.msk [tilespmem:v45+s15+$0x0], $0xffff;
	[tilespmem:s29+$0x40] =	vst v39  }
0xb8: {  	s5 =	sadd.s32 $0x10, s5;
	[tilespmem:s12+$0x20] =	vst v41;
	v30 =	vld.idx.msk [tilespmem:v46+s15+$0x0], $0xffff  }
0xb9: {  	_ =	sdelay $0x3  }
0xba: {  	v28 =	vld.idx.msk [tilespmem:v28+s15+$0x0], $0xffff  }
0xbb: {  	v39 =	vadd.s32 v2, v24;
	_ =	sdelay $0x1  }
0xbc: {  	s12 =	sadd.s32 $0x100, s12  }
0xbd: {  	v38 =	vld.idx.msk [tilespmem:v38+s15+$0x0], $0xffff;
	[tilespmem:s12+$0x0] =	vst v36  }
0xbe: {  	v62 =	vadd.s32 v3, v22;
	v36 =	vld.idx.msk [tilespmem:v37+s15+$0x0], $0xffff;
	[tilespmem:s12+$0xFFFFFF80] =	vst v28  }
0xbf: {  	v63 =	vadd.s32 v3, v23;
	v39 =	vld.idx.msk [tilespmem:v39+s15+$0x0], $0xffff  }
0xc0: {  	v40 =	vadd.s32 v3, v24;
	_ =	sdelay $0x1  }
0xc1: {  	[tilespmem:s1+$0xFFFFFF90] =	vst v38  }
0xc2: {  	v42 =	vld.idx.msk [tilespmem:v62+s15+$0x0], $0xffff;
	[tilespmem:s12+$0x10] =	vst v36  }
0xc3: {  	v43 =	vadd.s32 v4, v22;
	v28 =	vld.idx.msk [tilespmem:v63+s15+$0x0], $0xffff;
	[tilespmem:s12+$0xFFFFFF90] =	vst v39  }
0xc4: {  	[tilespmem:s30+$0xFFFFFFF0] =	vst v33;
	v44 =	vadd.s32 v4, v23;
	v45 =	vld.idx.msk [tilespmem:v40+s15+$0x0], $0xffff  }
0xc5: {  	v46 =	vadd.s32 v4, v24;
	[tilespmem:s28+$0xFFFFFFD0] =	vst v31  }
0xc6: {  	[tilespmem:s28+$0x70] =	vst v32  }
0xc7: {  	v47 =	vld.idx.msk [tilespmem:v35+s15+$0x0], $0xffff;
	[tilespmem:s1+$0xFFFFFFA0] =	vst v42  }
0xc8: {  	v48 =	vadd.s32 v5, v21;
	v36 =	vld.idx.msk [tilespmem:v43+s15+$0x0], $0xffff;
	[tilespmem:s12+$0x20] =	vst v28  }
0xc9: {  	v28 =	vld.idx.msk [tilespmem:v44+s15+$0x0], $0xffff;
	[tilespmem:s12+$0xFFFFFFA0] =	vst v45  }
0xca: {  	v49 =	vadd.s32 v5, v23;
	[tilespmem:s29+$0xFFFFFFB0] =	vst v29;
	v31 =	vld.idx.msk [tilespmem:v46+s15+$0x0], $0xffff  }
0xcb: {  	v50 =	vld.idx.msk [tilespmem:v34+s15+$0x0], $0xffff;
	[tilespmem:s29+$0x50] =	vst v30  }
0xcc: {  	v51 =	vadd.s32 v7, v18;
	v27 =	vld.idx.msk [tilespmem:v27+s15+$0x0], $0xffff;
	[tilespmem:s1+$0x30] =	vst v47  }
0xcd: {  	v52 =	vadd.s32 v6, v20;
	v53 =	vld.idx.msk [tilespmem:v48+s15+$0x0], $0xffff;
	[tilespmem:s1+$0xFFFFFFB0] =	vst v36  }
0xce: {  	v54 =	vadd.s32 v6, v21;
	v26 =	vld.idx.msk [tilespmem:v26+s15+$0x0], $0xffff;
	[tilespmem:s12+$0x30] =	vst v28  }
0xcf: {  	v55 =	vadd.s32 v6, v22;
	v29 =	vld.idx.msk [tilespmem:v49+s15+$0x0], $0xffff;
	[tilespmem:s12+$0xFFFFFFB0] =	vst v31  }
0xd0: {  	v56 =	vadd.s32 v6, v23;
	[tilespmem:s28+$0xFFFFFFE0] =	vst v50;
	v25 =	vld.idx.msk [tilespmem:v25+s15+$0x0], $0xffff  }
0xd1: {  	v30 =	vld.idx.msk [tilespmem:v51+s15+$0x0], $0xffff;
	[tilespmem:s29+$0xFFFFFFC0] =	vst v27;
	v27 =	vadd.s32 v6, v24  }
0xd2: {  	v19 =	vadd.s32 v8, v19;
	v32 =	vld.idx.msk [tilespmem:v52+s15+$0x0], $0xffff;
	[tilespmem:s1+$0x40] =	vst v53  }
0xd3: {  	v57 =	vadd.s32 v7, v20;
	v34 =	vld.idx.msk [tilespmem:v54+s15+$0x0], $0xffff;
	[tilespmem:s1+$0xFFFFFFC0] =	vst v26  }
0xd4: {  	v26 =	vadd.s32 v7, v21;
	v28 =	vld.idx.msk [tilespmem:v55+s15+$0x0], $0xffff;
	[tilespmem:s12+$0x40] =	vst v29  }
0xd5: {  	v58 =	vadd.s32 v7, v22;
	v31 =	vld.idx.msk [tilespmem:v56+s15+$0x0], $0xffff;
	[tilespmem:s12+$0xFFFFFFC0] =	vst v25  }
0xd6: {  	[tilespmem:s29+$0x60] =	vst v30;
	v25 =	vadd.s32 v7, v23;
	v27 =	vld.idx.msk [tilespmem:v27+s15+$0x0], $0xffff  }
0xd7: {  	v59 =	vadd.s32 v7, v24;
	v19 =	vld.idx.msk [tilespmem:v19+s15+$0x0], $0xffff;
	[tilespmem:s29+$0xFFFFFFD0] =	vst v32  }
0xd8: {  	v18 =	vadd.s32 v8, v18;
	v32 =	vld.idx.msk [tilespmem:v57+s15+$0x0], $0xffff;
	[tilespmem:s1+$0x50] =	vst v34  }
0xd9: {  	v60 =	vadd.s32 v8, v20;
	v26 =	vld.idx.msk [tilespmem:v26+s15+$0x0], $0xffff;
	[tilespmem:s1+$0xFFFFFFD0] =	vst v28  }
0xda: {  	v61 =	vadd.s32 v8, v21;
	v28 =	vld.idx.msk [tilespmem:v58+s15+$0x0], $0xffff;
	[tilespmem:s12+$0x50] =	vst v31  }
0xdb: {  	v62 =	vadd.s32 v8, v22;
	v25 =	vld.idx.msk [tilespmem:v25+s15+$0x0], $0xffff;
	[tilespmem:s12+$0xFFFFFFD0] =	vst v27  }
0xdc: {  	[tilespmem:s28+$0xFFFFFFF0] =	vst v19;
	v19 =	vadd.s32 v8, v23;
	v63 =	vld.idx.msk [tilespmem:v59+s15+$0x0], $0xffff  }
0xdd: {  	v24 =	vadd.s32 v8, v24;
	v18 =	vld.idx.msk [tilespmem:v18+s15+$0x0], $0xffff;
	[tilespmem:s29+$0xFFFFFFE0] =	vst v32  }
0xde: {  	v20 =	vld.idx.msk [tilespmem:v60+s15+$0x0], $0xffff;
	[tilespmem:s1+$0x60] =	vst v26  }
0xdf: {  	v21 =	vld.idx.msk [tilespmem:v61+s15+$0x0], $0xffff;
	[tilespmem:s1+$0xFFFFFFE0] =	vst v28  }
0xe0: {  	v22 =	vld.idx.msk [tilespmem:v62+s15+$0x0], $0xffff;
	[tilespmem:s12+$0x60] =	vst v25  }
0xe1: {  	v19 =	vld.idx.msk [tilespmem:v19+s15+$0x0], $0xffff;
	[tilespmem:s12+$0xFFFFFFE0] =	vst v63  }
0xe2: {  	[tilespmem:s29+$0x70] =	vst v18;
	v18 =	vld.idx.msk [tilespmem:v24+s15+$0x0], $0xffff  }
0xe3: {  	[tilespmem:s29+$0xFFFFFFF0] =	vst v20  }
0xe4: {  	[tilespmem:s1+$0x70] =	vst v21  }
0xe5: {  	[tilespmem:s1+$0xFFFFFFF0] =	vst v22  }
0xe6: {  	[tilespmem:s12+$0x70] =	vst v19  }
0xe7: {  	[tilespmem:s12+$0xFFFFFFF0] =	vst v18  }
0xe8: {  	v18 =	vld.idx.msk [tilespmem:v9+s15+$0x0], $0xffff;
	_ =	sdelay $0x4  }
0xe9: {  	[tilespmem:$0xC2E8] =	vst v18  }
0xea: {  	v18 =	vld.idx.msk [tilespmem:v10+s15+$0x0], $0xffff;
	_ =	sdelay $0x4  }
0xeb: {  	[tilespmem:$0xC2F8] =	vst v18  }
0xec: {  	v18 =	vld.idx.msk [tilespmem:v11+s15+$0x0], $0xffff;
	_ =	sdelay $0x4  }
0xed: {  	[tilespmem:$0xC308] =	vst v18  }
0xee: {  	v18 =	vld.idx.msk [tilespmem:v12+s15+$0x0], $0xffff;
	_ =	sdelay $0x4  }
0xef: {  	[tilespmem:$0xC318] =	vst v18  }
0xf0: {  	v18 =	vld.idx.msk [tilespmem:v13+s15+$0x0], $0xffff;
	_ =	sdelay $0x4  }
0xf1: {  	[tilespmem:$0xC328] =	vst v18  }
0xf2: {  	v18 =	vld.idx.msk [tilespmem:v14+s15+$0x0], $0xffff;
	_ =	sdelay $0x4  }
0xf3: {  	[tilespmem:$0xC338] =	vst v18  }
0xf4: {  	v18 =	vld.idx.msk [tilespmem:v15+s15+$0x0], $0xffff;
	_ =	sdelay $0x4  }
0xf5: {  	[tilespmem:$0xC348] =	vst v18  }
0xf6: {  	v18 =	vld.idx.msk [tilespmem:v16+s15+$0x0], $0xffff;
	_ =	sdelay $0x3  }
0xf7: {  	s1 =	sshll.u32 s24, $0x7  }
0xf8: {  	s5 =	sshrl.u32 s1, $0x2;
	[tilespmem:$0xC358] =	vst v18  }
0xf9: {  	v18 =	vld [tilespmem:s5+$0x200];
	_ =	sdelay $0x4  }
0xfa: {  	s30 =	sshll.u32 s31, $0xA;
	v18 =	vadd.s32 v0, v18  }
0xfb: {  	s28 =	sadd.s32 s8, s30  }
0xfc: {  	s0 =	sadd.s32 s28, s0  }
0xfd: {  	s0 =	sshrl.u32 s0, $0x3  }
0xfe: {  	s31 =	simm.s32 $0x84E8;
	s0 =	sadd.s32 s2, s0;
	s5 =	simm.s32 $0x200  }
0xff: {  	v24 =	vld.idx.msk [tilespmem:v18+s15+$0x0], $0xffff;
	[hbm4b:s0+s14] =	stream.strided.scatter [tilespmem:s31], [sflag:$0x3], $0x80, s18, s14, $0x38  }
.LBB2_5:
0x100: {  	p1 =	sne.s32 s5, $0xF800  }
.Ltmp1:
0x101: {  	_ = 	snop;
	(pc) =	sbr.rel @p1 .LBB2_5-.Ltmp1, $4  }
0x102: {  	_ = 	snop  }
0x103: {  	s6 =	sshra.s32 s5, $0x2;
	s5 =	sadd.s32 $0x200, s5  }
0x104: {  	s0 =	sadd.s32 $0x4000, s0;
	s6 =	sadd.s32 $0x84E8, s6  }
0x105: {  	[hbm4b:s0+s14] =	stream.strided.scatter [tilespmem:s6], [sflag:$0x3], $0x80, s18, s14, $0x38;
	[tilespmem:$0x101F8] =	vst v63  }
0x106: {  	s0 =	simm.s32 $0x8  }
0x107: {  	p1 =	seq.s32 s24, $0xF;
	v18 =	vmov s0  }
0x108: {  	s0 =	sshrl.u32 @!p1 s1, $0x2;
	v18 =	vshrl.u32 v18, $0x3  }
0x109: {  	s1 =	simm.s32 @!p1 $0x10;
	s5 =	simm.s32 @!p1 $0x7E8;
	s0 =	sadd.s32 @!p1 $0x20, s0;
	v18 =	vshll.u32 v18, v1  }
0x10a: {  	[tilespmem:s5], [sflag:$0x1] =	stream.indirect.gather @!p1 [hbm4b:s4+s1], $0x3E8, s0, s1, $0xb8;
	v22 =	vbroadcast v18, $0x0;
	[tilespmem:$0x101F8] =	vst v63  }
0x10b: {  	_ =	swait.ge [sflag:s19], $0x3E80  }
0x10c: {  	[sflag:s19] =	ssyncset.done $0x0;
	v18 =	vadd.s32 v0, v22  }
0x10d: {  	s0 =	simm.s32 @!p0 $0x4;
	[sflag:s19] =	ssyncadd.s32 $0xFFFFC180  }
0x10e: {  	_ =	swait.ge @!p0 [sflag:s0], $0x3E80  }
0x10f: {  	[sflag:s0] =	ssyncset.done @!p0 $0x0  }
0x110: {  	[sflag:s0] =	ssyncadd.s32 @!p0 $0xFFFFC180  }
0x111: {  	s1 =	simm.s32 $0x0;
	v18 =	vld.idx.msk [tilespmem:v18+s16+$0x0], $0xffff  }
0x112: {  	v19 =	vmov s1;
	v20 =	vadd.s32 v2, v22  }
0x113: {  	v19 =	vshrl.u32 v19, $0x3  }
0x114: {  	s5 =	simm.s32 $0x18;
	v19 =	vshll.u32 v19, v1  }
0x115: {  	s31 =	simm.s32 $0xC3E8;
	v26 =	vbroadcast v19, $0x0;
	v19 =	vmov s5  }
0x116: {  	[tilespmem:s31+$0x0] =	vst v18;
	v18 =	vshrl.u32 v19, $0x3  }
0x117: {  	v19 =	vadd.s32 v0, v26;
	v20 =	vld.idx.msk [tilespmem:v20+s16+$0x0], $0xffff;
	v18 =	vshll.u32 v18, v1  }
0x118: {  	v25 =	vbroadcast v18, $0x0;
	v18 =	vadd.s32 v3, v22;
	_ =	sdelay $0x1  }
0x119: {  	v21 =	vadd.s32 v0, v25;
	_ =	sdelay $0x1  }
0x11a: {  	v19 =	vld.idx.msk [tilespmem:v19+s16+$0x0], $0xffff;
	[tilespmem:s31+$0x10] =	vst v20  }
0x11b: {  	v20 =	vadd.s32 v2, v26;
	v18 =	vld.idx.msk [tilespmem:v18+s16+$0x0], $0xffff  }
0x11c: {  	s6 =	simm.s32 $0x10  }
0x11d: {  	v27 =	vmov s6;
	v23 =	vadd.s32 v4, v22;
	v21 =	vld.idx.msk [tilespmem:v21+s16+$0x0], $0xffff  }
0x11e: {  	v27 =	vshrl.u32 v27, $0x3;
	v28 =	vadd.s32 v2, v25  }
0x11f: {  	s12 =	simm.s32 $0x28;
	[tilespmem:s31+$0xFFFFFF80] =	vst v19;
	v19 =	vshll.u32 v27, v1  }
0x120: {  	v20 =	vld.idx.msk [tilespmem:v20+s16+$0x0], $0xffff;
	v19 =	vbroadcast v19, $0x0;
	[tilespmem:s31+$0x20] =	vst v18;
	v18 =	vmov s12  }
0x121: {  	s29 =	simm.s32 $0xC4E8;
	v27 =	vadd.s32 v3, v26;
	v18 =	vshrl.u32 v18, $0x3  }
0x122: {  	v23 =	vld.idx.msk [tilespmem:v23+s16+$0x0], $0xffff;
	v29 =	vadd.s32 v0, v19;
	[tilespmem:s29+$0x0] =	vst v21;
	v18 =	vshll.u32 v18, v1  }
0x123: {  	v21 =	vadd.s32 v5, v22;
	v28 =	vld.idx.msk [tilespmem:v28+s16+$0x0], $0xffff;
	v18 =	vbroadcast v18, $0x0  }
0x124: {  	v30 =	vadd.s32 v3, v25  }
0x125: {  	s22 =	simm.s32 $0x20;
	[tilespmem:s31+$0xFFFFFF90] =	vst v20;
	v31 =	vadd.s32 v0, v18  }
0x126: {  	v20 =	vmov s22;
	v27 =	vld.idx.msk [tilespmem:v27+s16+$0x0], $0xffff  }
0x127: {  	v20 =	vshrl.u32 v20, $0x3;
	[tilespmem:s31+$0x30] =	vst v23;
	v23 =	vadd.s32 v4, v26;
	v29 =	vld.idx.msk [tilespmem:v29+s16+$0x0], $0xffff  }
0x128: {  	v32 =	vadd.s32 v2, v19;
	v20 =	vshll.u32 v20, v1;
	v21 =	vld.idx.msk [tilespmem:v21+s16+$0x0], $0xffff;
	[tilespmem:s29+$0x10] =	vst v28  }
0x129: {  	v20 =	vbroadcast v20, $0x0;
	v28 =	vadd.s32 v6, v22;
	v30 =	vld.idx.msk [tilespmem:v30+s16+$0x0], $0xffff  }
0x12a: {  	v33 =	vadd.s32 v4, v25;
	v31 =	vld.idx.msk [tilespmem:v31+s16+$0x0], $0xffff  }
0x12b: {  	[tilespmem:s31+$0xFFFFFFA0] =	vst v27;
	v27 =	vadd.s32 v0, v20  }
0x12c: {  	v34 =	vadd.s32 v2, v18;
	v23 =	vld.idx.msk [tilespmem:v23+s16+$0x0], $0xffff;
	[tilespmem:s29+$0xFFFFFF80] =	vst v29  }
0x12d: {  	s1 =	simm.s32 $0x38;
	v35 =	vadd.s32 v5, v26;
	[tilespmem:s31+$0x40] =	vst v21;
	v29 =	vld.idx.msk [tilespmem:v32+s16+$0x0], $0xffff  }
0x12e: {  	s30 =	simm.s32 $0xC5E8;
	v48 =	vadd.s32 v3, v19;
	v21 =	vmov s1;
	v28 =	vld.idx.msk [tilespmem:v28+s16+$0x0], $0xffff;
	[tilespmem:s29+$0x20] =	vst v30  }
0x12f: {  	v21 =	vshrl.u32 v21, $0x3;
	v30 =	vadd.s32 v7, v22;
	[tilespmem:s30+$0x0] =	vst v31;
	v31 =	vld.idx.msk [tilespmem:v33+s16+$0x0], $0xffff  }
0x130: {  	v50 =	vadd.s32 v5, v25;
	v21 =	vshll.u32 v21, v1;
	v27 =	vld.idx.msk [tilespmem:v27+s16+$0x0], $0xffff  }
0x131: {  	v37 =	vadd.s32 v2, v20;
	v21 =	vbroadcast v21, $0x0;
	v49 =	vld.idx.msk [tilespmem:v34+s16+$0x0], $0xffff;
	[tilespmem:s31+$0xFFFFFFB0] =	vst v23  }
0x132: {  	v36 =	vadd.s32 v3, v18;
	v23 =	vld.idx.msk [tilespmem:v35+s16+$0x0], $0xffff;
	[tilespmem:s29+$0xFFFFFF90] =	vst v29  }
0x133: {  	[tilespmem:s31+$0x50] =	vst v28;
	v28 =	vadd.s32 v0, v21;
	v32 =	vld.idx.msk [tilespmem:v48+s16+$0x0], $0xffff  }
0x134: {  	v29 =	vld.idx.msk [tilespmem:v30+s16+$0x0], $0xffff;
	v30 =	vadd.s32 v6, v26;
	[tilespmem:s29+$0x30] =	vst v31  }
0x135: {  	v52 =	vadd.s32 v4, v19;
	[tilespmem:s30+$0xFFFFFF80] =	vst v27;
	v51 =	vld.idx.msk [tilespmem:v50+s16+$0x0], $0xffff  }
0x136: {  	s5 =	simm.s32 $0x30;
	v31 =	vadd.s32 v8, v22;
	[tilespmem:s30+$0x10] =	vst v49;
	v58 =	vld.idx.msk [tilespmem:v37+s16+$0x0], $0xffff  }
0x137: {  	v54 =	vadd.s32 v6, v25;
	v22 =	vmov s5;
	v53 =	vld.idx.msk [tilespmem:v36+s16+$0x0], $0xffff  }
0x138: {  	v60 =	vadd.s32 v3, v20;
	v22 =	vshrl.u32 v22, $0x3;
	[tilespmem:s31+$0xFFFFFFC0] =	vst v23;
	v28 =	vld.idx.msk [tilespmem:v28+s16+$0x0], $0xffff  }
0x139: {  	v22 =	vshll.u32 v22, v1;
	v23 =	vadd.s32 v4, v18;
	[tilespmem:s29+$0xFFFFFFA0] =	vst v32;
	v30 =	vld.idx.msk [tilespmem:v30+s16+$0x0], $0xffff  }
0x13a: {  	v22 =	vbroadcast v22, $0x0;
	[tilespmem:s31+$0x60] =	vst v29;
	v29 =	vadd.s32 v2, v21;
	v32 =	vld.idx.msk [tilespmem:v52+s16+$0x0], $0xffff  }
0x13b: {  	v55 =	vadd.s32 v7, v26;
	v31 =	vld.idx.msk [tilespmem:v31+s16+$0x0], $0xffff;
	[tilespmem:s29+$0x40] =	vst v51  }
0x13c: {  	s6 =	simm.s32 $0x48;
	v56 =	vadd.s32 v0, v22;
	[tilespmem:s30+$0xFFFFFF90] =	vst v58;
	v27 =	vld.idx.msk [tilespmem:v54+s16+$0x0], $0xffff  }
0x13d: {  	v59 =	vmov s6;
	s12 =	simm.s32 $0xC6E8;
	v57 =	vadd.s32 v5, v19;
	[tilespmem:s30+$0x20] =	vst v53;
	v37 =	vld.idx.msk [tilespmem:v60+s16+$0x0], $0xffff  }
0x13e: {  	v38 =	vadd.s32 v7, v25;
	[tilespmem:s12+$0x0] =	vst v28;
	v28 =	vld.idx.msk [tilespmem:v23+s16+$0x0], $0xffff;
	v23 =	vshrl.u32 v59, $0x3  }
0x13f: {  	v29 =	vld.idx.msk [tilespmem:v29+s16+$0x0], $0xffff;
	[tilespmem:s31+$0xFFFFFFD0] =	vst v30;
	v23 =	vshll.u32 v23, v1;
	v30 =	vadd.s32 v5, v18  }
0x140: {  	v61 =	vadd.s32 v3, v21;
	[tilespmem:s29+$0xFFFFFFB0] =	vst v32;
	v33 =	vld.idx.msk [tilespmem:v55+s16+$0x0], $0xffff;
	v23 =	vbroadcast v23, $0x0  }
0x141: {  	v26 =	vadd.s32 v8, v26;
	[tilespmem:s31+$0x70] =	vst v31;
	v31 =	vld.idx.msk [tilespmem:v56+s16+$0x0], $0xffff  }
0x142: {  	v32 =	vld.idx.msk [tilespmem:v57+s16+$0x0], $0xffff;
	[tilespmem:s29+$0x50] =	vst v27;
	v27 =	vadd.s32 v0, v23  }
0x143: {  	v62 =	vld.idx.msk [tilespmem:v38+s16+$0x0], $0xffff;
	[tilespmem:s30+$0x30] =	vst v28;
	v28 =	vadd.s32 v6, v19  }
0x144: {  	[tilespmem:s12+$0x10] =	vst v29;
	v30 =	vld.idx.msk [tilespmem:v30+s16+$0x0], $0xffff;
	v29 =	vadd.s32 v8, v25  }
0x145: {  	s22 =	simm.s32 $0x40;
	v40 =	vadd.s32 v4, v20;
	v39 =	vld.idx.msk [tilespmem:v61+s16+$0x0], $0xffff;
	[tilespmem:s31+$0xFFFFFFE0] =	vst v33  }
0x146: {  	v63 =	vmov s22;
	v41 =	vadd.s32 v6, v18;
	[tilespmem:s12+$0xFFFFFF80] =	vst v31;
	v34 =	vld.idx.msk [tilespmem:v26+s16+$0x0], $0xffff  }
0x147: {  	v17 =	vsub.f32 v17, v24;
	v38 =	vadd.s32 v2, v22;
	v25 =	vshrl.u32 v63, $0x3;
	[tilespmem:s29+$0xFFFFFFC0] =	vst v32;
	v36 =	vld.idx.msk [tilespmem:v27+s16+$0x0], $0xffff  }
0x148: {  	v35 =	vadd.s32 v4, v21;
	v25 =	vshll.u32 v25, v1;
	v31 =	vld.idx.msk [tilespmem:v28+s16+$0x0], $0xffff;
	[tilespmem:s29+$0x60] =	vst v62  }
0x149: {  	[tilespmem:s30+$0xFFFFFFA0] =	vst v37;
	v37 =	vadd.s32 v2, v23;
	v33 =	vadd.s32 v7, v19;
	v24 =	vbroadcast v25, $0x0;
	v32 =	vld.idx.msk [tilespmem:v29+s16+$0x0], $0xffff  }
0x14a: {  	s0 =	sadd.s32 s26, s25;
	v26 =	vadd.s32 v5, v22;
	v27 =	vadd.s32 v5, v20;
	v29 =	vld.idx.msk [tilespmem:v40+s16+$0x0], $0xffff;
	[tilespmem:s30+$0x40] =	vst v30  }
0x14b: {  	s22 =	simm.s32 $0x8;
	s1 =	simm.s32 $0xC6E8;
	s5 =	simm.s32 $0x50;
	v28 =	vadd.s32 v0, v24;
	v25 =	vadd.s32 v5, v24;
	[tilespmem:s12+$0x20] =	vst v39;
	v30 =	vld.idx.msk [tilespmem:v41+s16+$0x0], $0xffff  }
.LBB2_7:
0x14c: {  	v39 =	vmov s5;
	s6 =	sadd.s32 $0x8, s5;
	s22 =	sadd.s32 $0x2, s22;
	v38 =	vld.idx.msk [tilespmem:v38+s16+$0x0], $0xffff;
	s12 =	sadd.s32 $0x100, s12;
	[tilespmem:s31+$0xFFFFFFF0] =	vst v34  }
0x14d: {  	s31 =	smov.u32 s29;
	s29 =	smov.u32 s30;
	v34 =	vshrl.u32 v39, $0x3;
	v39 =	vmov s6;
	p0 =	slt.u32 s22, $0x7A;
	[tilespmem:s12+$0x0] =	vst v36;
	v35 =	vld.idx.msk [tilespmem:v35+s16+$0x0], $0xffff;
	v36 =	vadd.s32 v7, v18  }
0x14e: {  	v40 =	vadd.s32 v3, v22;
	s30 =	smov.u32 s1;
	s1 =	smov.u32 s12;
	v34 =	vshll.u32 v34, v1;
	v39 =	vshrl.u32 v39, $0x3;
	v37 =	vld.idx.msk [tilespmem:v37+s16+$0x0], $0xffff;
	[tilespmem:s31+$0xFFFFFFD0] =	vst v31  }
0x14f: {  	v31 =	vbroadcast v34, $0x0;
	v34 =	vshll.u32 v39, v1;
	v39 =	vadd.s32 v5, v21;
	v33 =	vld.idx.msk [tilespmem:v33+s16+$0x0], $0xffff;
	[tilespmem:s31+$0x70] =	vst v32  }
0x150: {  	v41 =	vadd.s32 v3, v23;
	v32 =	vbroadcast v34, $0x0;
	v34 =	vld.idx.msk [tilespmem:v28+s16+$0x0], $0xffff;
	[tilespmem:s29+$0xFFFFFFB0] =	vst v29;
	v29 =	vadd.s32 v8, v19  }
0x151: {  	v19 =	vmov v20;
	v28 =	vadd.s32 v0, v31;
	v42 =	vadd.s32 v5, v31;
	v43 =	vld.idx.msk [tilespmem:v27+s16+$0x0], $0xffff;
	[tilespmem:s29+$0x50] =	vst v30  }
0x152: {  	v20 =	vmovc v22;
	v22 =	vmov v24;
	v24 =	vmov v31;
	v30 =	vadd.s32 v0, v32;
	[tilespmem:s30+$0xFFFFFF90] =	vst v38;
	v44 =	vld.idx.msk [tilespmem:v36+s16+$0x0], $0xffff  }
0x153: {  	v31 =	vadd.s32 v6, v19;
	v27 =	vmovc v26;
	v26 =	vmov v25;
	v25 =	vmov v42;
	v40 =	vld.idx.msk [tilespmem:v40+s16+$0x0], $0xffff;
	[tilespmem:s30+$0x30] =	vst v35  }
0x154: {  	v42 =	vadd.s32 v8, v18;
	v18 =	vmovc v21;
	v21 =	vmov v23;
	v23 =	vmov v32;
	[tilespmem:s12+$0x10] =	vst v37;
	v39 =	vld.idx.msk [tilespmem:v39+s16+$0x0], $0xffff  }
0x155: {  	v45 =	vadd.s32 v4, v20;
	v41 =	vld.idx.msk [tilespmem:v41+s16+$0x0], $0xffff;
	[tilespmem:s31+$0xFFFFFFE0] =	vst v33  }
0x156: {  	v46 =	vadd.s32 v6, v18;
	[tilespmem:s12+$0xFFFFFF80] =	vst v34;
	v34 =	vld.idx.msk [tilespmem:v29+s16+$0x0], $0xffff  }
.Ltmp2:
0x157: {  	v38 =	vadd.s32 v2, v22;
	v36 =	vld.idx.msk [tilespmem:v30+s16+$0x0], $0xffff;
	[tilespmem:s29+$0xFFFFFFC0] =	vst v43;
	(pc) =	sbr.rel @p0 .LBB2_7-.Ltmp2, $4  }
0x158: {  	v35 =	vadd.s32 v4, v21;
	v31 =	vld.idx.msk [tilespmem:v31+s16+$0x0], $0xffff;
	[tilespmem:s29+$0x60] =	vst v44  }
0x159: {  	v37 =	vadd.s32 v2, v23;
	[tilespmem:s30+$0xFFFFFFA0] =	vst v40;
	v32 =	vld.idx.msk [tilespmem:v42+s16+$0x0], $0xffff  }
0x15a: {  	v33 =	vadd.s32 v7, v19;
	v29 =	vld.idx.msk [tilespmem:v45+s16+$0x0], $0xffff;
	[tilespmem:s30+$0x40] =	vst v39  }
0x15b: {  	s5 =	sadd.s32 $0x10, s5;
	[tilespmem:s12+$0x20] =	vst v41;
	v30 =	vld.idx.msk [tilespmem:v46+s16+$0x0], $0xffff  }
0x15c: {  	_ =	sdelay $0x3  }
0x15d: {  	v28 =	vld.idx.msk [tilespmem:v28+s16+$0x0], $0xffff  }
0x15e: {  	v39 =	vadd.s32 v2, v24;
	_ =	sdelay $0x1  }
0x15f: {  	s12 =	sadd.s32 $0x100, s12  }
0x160: {  	v38 =	vld.idx.msk [tilespmem:v38+s16+$0x0], $0xffff;
	[tilespmem:s12+$0x0] =	vst v36  }
0x161: {  	v61 =	vadd.s32 v3, v22;
	v36 =	vld.idx.msk [tilespmem:v37+s16+$0x0], $0xffff;
	[tilespmem:s12+$0xFFFFFF80] =	vst v28  }
0x162: {  	v62 =	vadd.s32 v3, v23;
	v39 =	vld.idx.msk [tilespmem:v39+s16+$0x0], $0xffff  }
0x163: {  	v40 =	vadd.s32 v3, v24;
	_ =	sdelay $0x1  }
0x164: {  	[tilespmem:s1+$0xFFFFFF90] =	vst v38  }
0x165: {  	v63 =	vld.idx.msk [tilespmem:v61+s16+$0x0], $0xffff;
	[tilespmem:s12+$0x10] =	vst v36  }
0x166: {  	v41 =	vadd.s32 v4, v22;
	v28 =	vld.idx.msk [tilespmem:v62+s16+$0x0], $0xffff;
	[tilespmem:s12+$0xFFFFFF90] =	vst v39  }
0x167: {  	[tilespmem:s31+$0xFFFFFFF0] =	vst v34;
	v42 =	vadd.s32 v4, v23;
	v43 =	vld.idx.msk [tilespmem:v40+s16+$0x0], $0xffff  }
0x168: {  	v44 =	vadd.s32 v4, v24;
	[tilespmem:s29+$0xFFFFFFD0] =	vst v31  }
0x169: {  	[tilespmem:s29+$0x70] =	vst v32  }
0x16a: {  	v45 =	vld.idx.msk [tilespmem:v35+s16+$0x0], $0xffff;
	[tilespmem:s1+$0xFFFFFFA0] =	vst v63  }
0x16b: {  	v46 =	vadd.s32 v5, v21;
	v36 =	vld.idx.msk [tilespmem:v41+s16+$0x0], $0xffff;
	[tilespmem:s12+$0x20] =	vst v28  }
0x16c: {  	v28 =	vld.idx.msk [tilespmem:v42+s16+$0x0], $0xffff;
	[tilespmem:s12+$0xFFFFFFA0] =	vst v43  }
0x16d: {  	v47 =	vadd.s32 v5, v23;
	[tilespmem:s30+$0xFFFFFFB0] =	vst v29;
	v31 =	vld.idx.msk [tilespmem:v44+s16+$0x0], $0xffff  }
0x16e: {  	v33 =	vld.idx.msk [tilespmem:v33+s16+$0x0], $0xffff;
	[tilespmem:s30+$0x50] =	vst v30  }
0x16f: {  	v48 =	vadd.s32 v7, v18;
	v27 =	vld.idx.msk [tilespmem:v27+s16+$0x0], $0xffff;
	[tilespmem:s1+$0x30] =	vst v45  }
0x170: {  	v49 =	vadd.s32 v6, v20;
	v50 =	vld.idx.msk [tilespmem:v46+s16+$0x0], $0xffff;
	[tilespmem:s1+$0xFFFFFFB0] =	vst v36  }
0x171: {  	v51 =	vadd.s32 v6, v21;
	v26 =	vld.idx.msk [tilespmem:v26+s16+$0x0], $0xffff;
	[tilespmem:s12+$0x30] =	vst v28  }
0x172: {  	v52 =	vadd.s32 v6, v22;
	v29 =	vld.idx.msk [tilespmem:v47+s16+$0x0], $0xffff;
	[tilespmem:s12+$0xFFFFFFB0] =	vst v31  }
0x173: {  	v53 =	vadd.s32 v6, v23;
	[tilespmem:s29+$0xFFFFFFE0] =	vst v33;
	v25 =	vld.idx.msk [tilespmem:v25+s16+$0x0], $0xffff  }
0x174: {  	v54 =	vadd.s32 v6, v24;
	v30 =	vld.idx.msk [tilespmem:v48+s16+$0x0], $0xffff;
	[tilespmem:s30+$0xFFFFFFC0] =	vst v27  }
0x175: {  	v19 =	vadd.s32 v8, v19;
	v32 =	vld.idx.msk [tilespmem:v49+s16+$0x0], $0xffff;
	[tilespmem:s1+$0x40] =	vst v50  }
0x176: {  	v55 =	vadd.s32 v7, v20;
	v34 =	vld.idx.msk [tilespmem:v51+s16+$0x0], $0xffff;
	[tilespmem:s1+$0xFFFFFFC0] =	vst v26  }
0x177: {  	v56 =	vadd.s32 v7, v21;
	v28 =	vld.idx.msk [tilespmem:v52+s16+$0x0], $0xffff;
	[tilespmem:s12+$0x40] =	vst v29  }
0x178: {  	v57 =	vadd.s32 v7, v22;
	v31 =	vld.idx.msk [tilespmem:v53+s16+$0x0], $0xffff;
	[tilespmem:s12+$0xFFFFFFC0] =	vst v25  }
0x179: {  	v58 =	vadd.s32 v7, v23;
	[tilespmem:s30+$0x60] =	vst v30;
	v27 =	vld.idx.msk [tilespmem:v54+s16+$0x0], $0xffff  }
0x17a: {  	v59 =	vadd.s32 v7, v24;
	v19 =	vld.idx.msk [tilespmem:v19+s16+$0x0], $0xffff;
	[tilespmem:s30+$0xFFFFFFD0] =	vst v32  }
0x17b: {  	v18 =	vadd.s32 v8, v18;
	v32 =	vld.idx.msk [tilespmem:v55+s16+$0x0], $0xffff;
	[tilespmem:s1+$0x50] =	vst v34  }
0x17c: {  	v20 =	vadd.s32 v8, v20;
	v26 =	vld.idx.msk [tilespmem:v56+s16+$0x0], $0xffff;
	[tilespmem:s1+$0xFFFFFFD0] =	vst v28  }
0x17d: {  	v60 =	vadd.s32 v8, v21;
	v28 =	vld.idx.msk [tilespmem:v57+s16+$0x0], $0xffff;
	[tilespmem:s12+$0x50] =	vst v31  }
0x17e: {  	v61 =	vadd.s32 v8, v22;
	v25 =	vld.idx.msk [tilespmem:v58+s16+$0x0], $0xffff;
	[tilespmem:s12+$0xFFFFFFD0] =	vst v27  }
0x17f: {  	[tilespmem:s29+$0xFFFFFFF0] =	vst v19;
	v19 =	vadd.s32 v8, v23;
	v62 =	vld.idx.msk [tilespmem:v59+s16+$0x0], $0xffff  }
0x180: {  	v18 =	vld.idx.msk [tilespmem:v18+s16+$0x0], $0xffff;
	v63 =	vadd.s32 v8, v24;
	[tilespmem:s30+$0xFFFFFFE0] =	vst v32  }
0x181: {  	v20 =	vld.idx.msk [tilespmem:v20+s16+$0x0], $0xffff;
	[tilespmem:s1+$0x60] =	vst v26  }
0x182: {  	v21 =	vld.idx.msk [tilespmem:v60+s16+$0x0], $0xffff;
	[tilespmem:s1+$0xFFFFFFE0] =	vst v28  }
0x183: {  	v22 =	vld.idx.msk [tilespmem:v61+s16+$0x0], $0xffff;
	[tilespmem:s12+$0x60] =	vst v25  }
0x184: {  	v19 =	vld.idx.msk [tilespmem:v19+s16+$0x0], $0xffff;
	[tilespmem:s12+$0xFFFFFFE0] =	vst v62  }
0x185: {  	[tilespmem:s30+$0x70] =	vst v18;
	v18 =	vld.idx.msk [tilespmem:v63+s16+$0x0], $0xffff  }
0x186: {  	[tilespmem:s30+$0xFFFFFFF0] =	vst v20  }
0x187: {  	[tilespmem:s1+$0x70] =	vst v21  }
0x188: {  	[tilespmem:s1+$0xFFFFFFF0] =	vst v22  }
0x189: {  	[tilespmem:s12+$0x70] =	vst v19  }
0x18a: {  	[tilespmem:s12+$0xFFFFFFF0] =	vst v18  }
0x18b: {  	v18 =	vld.idx.msk [tilespmem:v9+s16+$0x0], $0xffff;
	_ =	sdelay $0x4  }
0x18c: {  	[tilespmem:$0x10168] =	vst v18  }
0x18d: {  	v18 =	vld.idx.msk [tilespmem:v10+s16+$0x0], $0xffff;
	_ =	sdelay $0x4  }
0x18e: {  	[tilespmem:$0x10178] =	vst v18  }
0x18f: {  	v18 =	vld.idx.msk [tilespmem:v11+s16+$0x0], $0xffff;
	_ =	sdelay $0x4  }
0x190: {  	[tilespmem:$0x10188] =	vst v18  }
0x191: {  	v18 =	vld.idx.msk [tilespmem:v12+s16+$0x0], $0xffff;
	_ =	sdelay $0x4  }
0x192: {  	[tilespmem:$0x10198] =	vst v18  }
0x193: {  	v18 =	vld.idx.msk [tilespmem:v13+s16+$0x0], $0xffff;
	_ =	sdelay $0x4  }
0x194: {  	[tilespmem:$0x101A8] =	vst v18  }
0x195: {  	v18 =	vld.idx.msk [tilespmem:v14+s16+$0x0], $0xffff;
	_ =	sdelay $0x4  }
0x196: {  	[tilespmem:$0x101B8] =	vst v18  }
0x197: {  	v18 =	vld.idx.msk [tilespmem:v15+s16+$0x0], $0xffff;
	_ =	sdelay $0x4  }
0x198: {  	[tilespmem:$0x101C8] =	vst v18  }
0x199: {  	v18 =	vld.idx.msk [tilespmem:v16+s16+$0x0], $0xffff;
	_ =	sdelay $0x4  }
0x19a: {  	[tilespmem:$0x101D8] =	vst v18  }
0x19b: {  	v18 =	vld [tilespmem:s25+$0x200];
	_ =	sdelay $0x4  }
0x19c: {  	v18 =	vadd.s32 v0, v18;
	_ =	sdelay $0x1  }
0x19d: {  	s0 =	sadd.s32 s28, s0  }
0x19e: {  	s0 =	sshrl.u32 s0, $0x3  }
0x19f: {  	s31 =	simm.s32 $0xC368;
	s0 =	sadd.s32 s2, s0;
	s1 =	simm.s32 $0x200  }
0x1a0: {  	v18 =	vld.idx.msk [tilespmem:v18+s16+$0x0], $0xffff;
	[hbm4b:s0+s14] =	stream.strided.scatter [tilespmem:s31], [sflag:$0x4], $0x80, s18, s14, $0x38  }
.LBB2_9:
0x1a1: {  	p0 =	sne.s32 s1, $0xF800  }
.Ltmp3:
0x1a2: {  	_ = 	snop;
	(pc) =	sbr.rel @p0 .LBB2_9-.Ltmp3, $4  }
0x1a3: {  	_ = 	snop  }
0x1a4: {  	s5 =	sshra.s32 s1, $0x2;
	s1 =	sadd.s32 $0x200, s1  }
0x1a5: {  	s0 =	sadd.s32 $0x4000, s0;
	s5 =	sadd.s32 $0xC368, s5  }
0x1a6: {  	[hbm4b:s0+s14] =	stream.strided.scatter [tilespmem:s5], [sflag:$0x4], $0x80, s18, s14, $0x38;
	[tilespmem:$0x101F8] =	vst v63  }
0x1a7: {  	s24 =	sadd.s32 $0x1, s24  }
0x1a8: {  	p0 =	sne.s32 s24, $0x10  }
.Ltmp4:
0x1a9: {  	_ = 	snop;
	(pc) =	sbr.rel @p0 .LBB2_2-.Ltmp4, $2  }
0x1aa: {  	_ =	sdelay $0x2  }
0x1ab: {  	v17 =	vsub.f32 v17, v18  }
0x1ac: {  	_ =	swait.ge [sflag:s20], $0x3E80  }
0x1ad: {  	[sflag:s20] =	ssyncset.done $0x0  }
0x1ae: {  	[sflag:s20] =	ssyncadd.s32 $0xFFFFC180  }
0x1af: {  	_ =	swait.ge [sflag:s21], $0x3E80  }
0x1b0: {  	s23 =	sadd.s32 $0x1, s23;
	[sflag:s21] =	ssyncset.done $0x0  }
0x1b1: {  	p0 =	sne.s32 s23, s10;
	[sflag:s21] =	ssyncadd.s32 $0xFFFFC180  }
.Ltmp5:
0x1b2: {  	s0 =	simm.s32 $0x101E8;
	[tilespmem:$0x101E8] =	vst v17;
	(pc) =	sbr.rel @p0 .LBB2_1-.Ltmp5, $4  }
0x1b3: {  	[hbm4b:s9+s3] =	stream.linear.scatter [tilespmem:s0], [sflag:$0x5], $0x10, $0x38;
	[tilespmem:$0x101F8] =	vst v63  }
0x1b4: {  	_ =	swait.ge [sflag:s11], $0x10  }
0x1b5: {  	[sflag:s11] =	ssyncset.done $0x0  }
0x1b6: {  	[sflag:s11] =	ssyncadd.s32 $0xFFFFFFF0  }
0x1b7: {  	_ =	sfence.sel $0x180000  }
0x1b8: {  	[bflag:$0x0] =	sbarrier.arrive $0xFFFF  }
0x1b9: {  	_ =	strace $0x90000047  }
0x1ba: {  	s0 =	stileid.u32;
	[bflag:$0x2] =	sbarrier.arrive $0xFFFF  }
0x1bb: {  	p0 =	sne.s32 s0, $0x0;
	s0 =	rddreg [dreg:$0x2]  }
0x1bc: {  	s0 =	sadd.s32 @!p0 $0x100000, s0  }
0x1bd: {  	[sflag:s0] =	ssyncadd.tile.s32 @!p0 $0x1;
	_ =	shalt  }
.Lfunc_end2:
_tile_overlayer_lowered:
.L_overlay_start_2:
0x1be: {  	(tag) =	ssettag $0x2  }
0x1bf: {  	s0 =	rddreg [dreg:$0x0];
	s2 =	stileid.u32  }
0x1c0: {  	s1 =	rddreg [dreg:$0x1];
	p0 =	sne.s32 s2, $0x0  }
0x1c1: {  	s3 =	rddreg [dreg:$0x2];
	[bflag:$0x3] =	sbarrier.arrive $0xFFFF;
	s2 =	simm.s32 @!p0 $0x1C05  }
0x1c2: {  	[timem:s3], [sflag:s2] =	dma.local @!p0 [hbm:s0], s1  }
0x1c3: {  	s0 =	simm.s32 @!p0 $0x5  }
0x1c4: {  	_ =	swait.ge @!p0 [sflag:s0], s1  }
0x1c5: {  	s1 =	ssub.s32 @!p0 $0x0, s1;
	[sflag:s0] =	ssyncset.done @!p0 $0x0  }
0x1c6: {  	[sflag:s0] =	ssyncadd.s32 @!p0 s1  }
0x1c7: {  	[bflag:$0x3] =	sbarrier.arrive $0xFFFF  }
0x1c8: {  	_ =	shalt  }

</sc_bundles>
